<compile_context>
chip_gen: v7x
topology: tpu7x:2x2x1
jax: 0.10.2.dev20260603
libtpu: 0.0.44.dev20260713+nightly
codegen_flags: <defaults>
</compile_context>

<pallas_src>
import functools

import jax
import jax.numpy as jnp
import numpy as np
from jax import lax
from jax.experimental import pallas as pl
from jax.experimental.pallas import tpu as pltpu
from jax.experimental.pallas import tpu_sc as plsc

B = 4096
N = 64
OUT = N * (N + 1) // 2

_NC = 2
_NS = 16
_NW = _NC * _NS
_U = 8
_UNITS = OUT // _U
_MAXT = -(-_UNITS // _NW)


def _triu_m() -> np.ndarray:
    rows, cols = np.triu_indices(N)
    return (rows * N + cols).astype(np.int32)


_NBUF = 3


def _body(in_hbm, idx_hbm, out_hbm, vidx, stage,
          semg0, semg1, semg2, semw0, semw1, semw2):
    wid = lax.axis_index("s") * _NC + lax.axis_index("c")
    semg = (semg0, semg1, semg2)
    semw = (semw0, semw1, semw2)
    pltpu.sync_copy(idx_hbm, vidx)

    def _guarded(t, fn):
        u = wid + t * _NW

        @pl.when(u < _UNITS)
        def _():
            fn(pl.multiple_of(u * _U, _U), t % _NBUF)

    def _start_g(row0, b):
        pltpu.async_copy(in_hbm.at[vidx.at[pl.ds(row0, _U)]],
                         stage.at[b], semg[b])

    def _wait_g(row0, b):
        pltpu.make_async_copy(in_hbm.at[vidx.at[pl.ds(row0, _U)]],
                              stage.at[b], semg[b]).wait()

    def _start_w(row0, b):
        pltpu.async_copy(stage.at[b], out_hbm.at[pl.ds(row0, _U)], semw[b])

    def _wait_w(row0, b):
        pltpu.make_async_copy(stage.at[b], out_hbm.at[pl.ds(row0, _U)],
                              semw[b]).wait()

    for t in range(_MAXT + 1):
        if t < _MAXT:
            if t >= _NBUF:
                _guarded(t - _NBUF, _wait_w)
            _guarded(t, _start_g)
        if t >= 1:
            _guarded(t - 1, _wait_g)
            _guarded(t - 1, _start_w)
    for t in range(max(0, _MAXT - _NBUF), _MAXT):
        _guarded(t, _wait_w)


def kernel(input):
    mesh = plsc.VectorSubcoreMesh(core_axis_name="c", subcore_axis_name="s")
    k = functools.partial(
        pl.kernel,
        out_type=jax.ShapeDtypeStruct((OUT, B), jnp.float32),
        mesh=mesh,
        scratch_types=[
            pltpu.VMEM((OUT,), jnp.int32),
            pltpu.VMEM((_NBUF, _U, B), jnp.float32),
            pltpu.SemaphoreType.DMA,
            pltpu.SemaphoreType.DMA,
            pltpu.SemaphoreType.DMA,
            pltpu.SemaphoreType.DMA,
            pltpu.SemaphoreType.DMA,
            pltpu.SemaphoreType.DMA,
        ],
        compiler_params=pltpu.CompilerParams(use_tc_tiling_on_sc=True,
                                             needs_layout_passes=False),
    )(_body)
    in_t = input.transpose(1, 2, 0).reshape(N * N, B)
    out_t = k(in_t, jnp.asarray(_triu_m()))
    return out_t.T

# --- scband reference (transcript-rebuilt; emitter-appended) ---
"""Pipeline reference for scband-spdvectorize-13546326851713 (READ-ONLY COPY).

The authoritative reference and input builder live on the scoring server;
editing this copy changes nothing except your own understanding.
"""

import jax, jax.numpy as jnp
import numpy as np

B, N = 4096, 64

def setup_inputs(seed: int = 0) -> dict:
    key = jax.random.key(seed)
    x = jax.random.normal(key, (B, N, N), dtype=jnp.float32)
    return {"input": x}

def reference(input) -> jnp.ndarray:
    n = input.shape[1]
    rows, cols = jnp.triu_indices(n)
    # batched gather of upper-triangular entries: [B, n*(n+1)/2]
    out = input[:, rows, cols]
    return out

if __name__ == "__main__":
    import jax
    _d = setup_inputs()
    print(jax.jit(kernel)(*tuple(_d.values())))

</pallas_src>

<mosaic_0001>
#map = affine_map<(d0, d1) -> (0, 0)>
#map1 = affine_map<(d0, d1) -> (0)>
module attributes {stable_mosaic.version = 14 : i64} {
  func.func @_body(%arg0: i32, %arg1: i32, %arg2: memref<4096x4096xf32, #tpu.memory_space<hbm>>, %arg3: memref<2080xi32, #tpu.memory_space<hbm>>, %arg4: memref<2080x4096xf32, #tpu.memory_space<hbm>>, %arg5: memref<2080xi32, #tpu.memory_space<vmem>>, %arg6: memref<3x8x4096xf32, #tpu.memory_space<vmem>>, %arg7: memref<!tpu.dma_semaphore, #tpu.memory_space<semaphore_mem>>, %arg8: memref<!tpu.dma_semaphore, #tpu.memory_space<semaphore_mem>>, %arg9: memref<!tpu.dma_semaphore, #tpu.memory_space<semaphore_mem>>, %arg10: memref<!tpu.dma_semaphore, #tpu.memory_space<semaphore_mem>>, %arg11: memref<!tpu.dma_semaphore, #tpu.memory_space<semaphore_mem>>, %arg12: memref<!tpu.dma_semaphore, #tpu.memory_space<semaphore_mem>>) attributes {dimension_semantics = [#tpu.dimension_semantics<core_parallel>, #tpu.dimension_semantics<subcore_parallel>], iteration_bounds = array<i64: 2, 16>, scalar_prefetch = 0 : i64, scratch_operands = 8 : i64, tpu.core_type = #tpu.core_type<sc_vector_subcore>, window_params = [{transform_indices = #map}, {transform_indices = #map1}, {transform_indices = #map}]} {
    %mul3A = arith.constant 2 : i32
    %mul3A_0 = arith.muli %arg1, %mul3A : i32
    %add3A = arith.addi %mul3A_0, %arg0 : i32
    "tpu.region"() ({
      %run_scoped3A = tpu.sem_alloc : memref<!tpu.dma_semaphore, #tpu.memory_space<semaphore_mem>>
      tpu.enqueue_dma source(%arg3 : memref<2080xi32, #tpu.memory_space<hbm>>) target(%arg5 : memref<2080xi32, #tpu.memory_space<vmem>>) target_semaphore(%run_scoped3A : memref<!tpu.dma_semaphore, #tpu.memory_space<semaphore_mem>>)
      tpu.wait_dma2 semaphore(%run_scoped3A : memref<!tpu.dma_semaphore, #tpu.memory_space<semaphore_mem>>) src(%arg3 : memref<2080xi32, #tpu.memory_space<hbm>>) dst(%arg5 : memref<2080xi32, #tpu.memory_space<vmem>>)
      tpu.yield
    }) : () -> ()
    %add3A_1 = arith.constant 0 : i32
    %add3A_2 = arith.addi %add3A, %add3A_1 : i32
    %lt3A = arith.constant 260 : i32
    %lt3A_3 = arith.cmpi slt, %add3A_2, %lt3A : i32
    %convert_element_type3A = arith.extui %lt3A_3 : i1 to i32
    %cond3A = arith.constant 0 : i32
    %cond3A_4 = arith.cmpi ne, %convert_element_type3A, %cond3A : i32
    scf.if %cond3A_4 {
      %mul3A_250 = arith.constant 8 : i32
      %mul3A_251 = arith.muli %add3A_2, %mul3A_250 : i32
      %multiple_of3A = tpu.assume_multiple %mul3A_251, 8 : i32
      %dma_start3A = arith.constant 0 : i32
      %dma_start3A_252 = arith.constant 0 : i32
      %dma_start3A_253 = arith.constant 0 : i32
      %dma_start3A_254 = tpu.memref_slice %arg6[%dma_start3A, %dma_start3A_252, %dma_start3A_253] : memref<3x8x4096xf32, #tpu.memory_space<vmem>> -> memref<1x8x4096xf32, #tpu.memory_space<vmem>>
      %dma_start3A_255 = tpu.memref_squeeze %dma_start3A_254 : memref<1x8x4096xf32, #tpu.memory_space<vmem>> -> memref<8x4096xf32, #tpu.memory_space<vmem>>
      %dma_start3A_256 = tpu.memref_slice %arg5[%multiple_of3A] : memref<2080xi32, #tpu.memory_space<vmem>> -> memref<8xi32, #tpu.memory_space<vmem>>
      %dma_start3A_257 = arith.constant 0 : i32
      %dma_start3A_258 = arith.constant 0 : i32
      %dma_start3A_259 = tpu.memref_slice %arg2[%dma_start3A_257, %dma_start3A_258] : memref<4096x4096xf32, #tpu.memory_space<hbm>> -> memref<4096x4096xf32, #tpu.memory_space<hbm>>
      tpu.enqueue_indirect_dma source(%dma_start3A_259 : memref<4096x4096xf32, #tpu.memory_space<hbm>>) target(%dma_start3A_255 : memref<8x4096xf32, #tpu.memory_space<vmem>>) offsets(%dma_start3A_256 : memref<8xi32, #tpu.memory_space<vmem>>) semaphore(%arg7 : memref<!tpu.dma_semaphore, #tpu.memory_space<semaphore_mem>>)
    } else {
    }
    %add3A_5 = arith.constant 32 : i32
    %add3A_6 = arith.addi %add3A, %add3A_5 : i32
    %lt3A_7 = arith.constant 260 : i32
    %lt3A_8 = arith.cmpi slt, %add3A_6, %lt3A_7 : i32
    %convert_element_type3A_9 = arith.extui %lt3A_8 : i1 to i32
    %cond3A_10 = arith.constant 0 : i32
    %cond3A_11 = arith.cmpi ne, %convert_element_type3A_9, %cond3A_10 : i32
    scf.if %cond3A_11 {
      %mul3A_250 = arith.constant 8 : i32
      %mul3A_251 = arith.muli %add3A_6, %mul3A_250 : i32
      %multiple_of3A = tpu.assume_multiple %mul3A_251, 8 : i32
      %dma_start3A = arith.constant 1 : i32
      %dma_start3A_252 = arith.constant 0 : i32
      %dma_start3A_253 = arith.constant 0 : i32
      %dma_start3A_254 = tpu.memref_slice %arg6[%dma_start3A, %dma_start3A_252, %dma_start3A_253] : memref<3x8x4096xf32, #tpu.memory_space<vmem>> -> memref<1x8x4096xf32, #tpu.memory_space<vmem>>
      %dma_start3A_255 = tpu.memref_squeeze %dma_start3A_254 : memref<1x8x4096xf32, #tpu.memory_space<vmem>> -> memref<8x4096xf32, #tpu.memory_space<vmem>>
      %dma_start3A_256 = tpu.memref_slice %arg5[%multiple_of3A] : memref<2080xi32, #tpu.memory_space<vmem>> -> memref<8xi32, #tpu.memory_space<vmem>>
      %dma_start3A_257 = arith.constant 0 : i32
      %dma_start3A_258 = arith.constant 0 : i32
      %dma_start3A_259 = tpu.memref_slice %arg2[%dma_start3A_257, %dma_start3A_258] : memref<4096x4096xf32, #tpu.memory_space<hbm>> -> memref<4096x4096xf32, #tpu.memory_space<hbm>>
      tpu.enqueue_indirect_dma source(%dma_start3A_259 : memref<4096x4096xf32, #tpu.memory_space<hbm>>) target(%dma_start3A_255 : memref<8x4096xf32, #tpu.memory_space<vmem>>) offsets(%dma_start3A_256 : memref<8xi32, #tpu.memory_space<vmem>>) semaphore(%arg8 : memref<!tpu.dma_semaphore, #tpu.memory_space<semaphore_mem>>)
    } else {
    }
    %add3A_12 = arith.constant 0 : i32
    %add3A_13 = arith.addi %add3A, %add3A_12 : i32
    %lt3A_14 = arith.constant 260 : i32
    %lt3A_15 = arith.cmpi slt, %add3A_13, %lt3A_14 : i32
    %convert_element_type3A_16 = arith.extui %lt3A_15 : i1 to i32
    %cond3A_17 = arith.constant 0 : i32
    %cond3A_18 = arith.cmpi ne, %convert_element_type3A_16, %cond3A_17 : i32
    scf.if %cond3A_18 {
      %mul3A_250 = arith.constant 8 : i32
      %mul3A_251 = arith.muli %add3A_13, %mul3A_250 : i32
      %multiple_of3A = tpu.assume_multiple %mul3A_251, 8 : i32
      %dma_wait3A = arith.constant 0 : i32
      %dma_wait3A_252 = arith.constant 0 : i32
      %dma_wait3A_253 = arith.constant 0 : i32
      %dma_wait3A_254 = tpu.memref_slice %arg6[%dma_wait3A, %dma_wait3A_252, %dma_wait3A_253] : memref<3x8x4096xf32, #tpu.memory_space<vmem>> -> memref<1x8x4096xf32, #tpu.memory_space<vmem>>
      %dma_wait3A_255 = tpu.memref_squeeze %dma_wait3A_254 : memref<1x8x4096xf32, #tpu.memory_space<vmem>> -> memref<8x4096xf32, #tpu.memory_space<vmem>>
      %dma_wait3A_256 = tpu.memref_slice %arg5[%multiple_of3A] : memref<2080xi32, #tpu.memory_space<vmem>> -> memref<8xi32, #tpu.memory_space<vmem>>
      %dma_wait3A_257 = arith.constant 0 : i32
      %dma_wait3A_258 = arith.constant 0 : i32
      %dma_wait3A_259 = tpu.memref_slice %arg2[%dma_wait3A_257, %dma_wait3A_258] : memref<4096x4096xf32, #tpu.memory_space<hbm>> -> memref<4096x4096xf32, #tpu.memory_space<hbm>>
      tpu.wait_indirect_dma semaphore(%arg7 : memref<!tpu.dma_semaphore, #tpu.memory_space<semaphore_mem>>) src(%dma_wait3A_259 : memref<4096x4096xf32, #tpu.memory_space<hbm>>) dst(%dma_wait3A_255 : memref<8x4096xf32, #tpu.memory_space<vmem>>)
    } else {
    }
    %add3A_19 = arith.constant 0 : i32
    %add3A_20 = arith.addi %add3A, %add3A_19 : i32
    %lt3A_21 = arith.constant 260 : i32
    %lt3A_22 = arith.cmpi slt, %add3A_20, %lt3A_21 : i32
    %convert_element_type3A_23 = arith.extui %lt3A_22 : i1 to i32
    %cond3A_24 = arith.constant 0 : i32
    %cond3A_25 = arith.cmpi ne, %convert_element_type3A_23, %cond3A_24 : i32
    scf.if %cond3A_25 {
      %mul3A_250 = arith.constant 8 : i32
      %mul3A_251 = arith.muli %add3A_20, %mul3A_250 : i32
      %multiple_of3A = tpu.assume_multiple %mul3A_251, 8 : i32
      %dma_start3A = arith.constant 0 : i32
      %dma_start3A_252 = arith.constant 0 : i32
      %dma_start3A_253 = arith.constant 0 : i32
      %dma_start3A_254 = tpu.memref_slice %arg6[%dma_start3A, %dma_start3A_252, %dma_start3A_253] : memref<3x8x4096xf32, #tpu.memory_space<vmem>> -> memref<1x8x4096xf32, #tpu.memory_space<vmem>>
      %dma_start3A_255 = tpu.memref_squeeze %dma_start3A_254 : memref<1x8x4096xf32, #tpu.memory_space<vmem>> -> memref<8x4096xf32, #tpu.memory_space<vmem>>
      %dma_start3A_256 = arith.constant 0 : i32
      %dma_start3A_257 = tpu.memref_slice %arg4[%multiple_of3A, %dma_start3A_256] : memref<2080x4096xf32, #tpu.memory_space<hbm>> -> memref<8x4096xf32, #tpu.memory_space<hbm>>
      %dma_start3A_258 = arith.constant 0 : i32
      %dma_start3A_259 = tpu.memref_slice %arg4[%multiple_of3A, %dma_start3A_258] : memref<2080x4096xf32, #tpu.memory_space<hbm>> -> memref<8x4096xf32, #tpu.memory_space<hbm>>
      %dma_start3A_260 = arith.constant 0 : i32
      %dma_start3A_261 = arith.constant 0 : i32
      %dma_start3A_262 = tpu.memref_slice %arg6[%dma_start3A, %dma_start3A_260, %dma_start3A_261] : memref<3x8x4096xf32, #tpu.memory_space<vmem>> -> memref<1x8x4096xf32, #tpu.memory_space<vmem>>
      %dma_start3A_263 = tpu.memref_squeeze %dma_start3A_262 : memref<1x8x4096xf32, #tpu.memory_space<vmem>> -> memref<8x4096xf32, #tpu.memory_space<vmem>>
      tpu.enqueue_dma source(%dma_start3A_263 : memref<8x4096xf32, #tpu.memory_space<vmem>>) target(%dma_start3A_259 : memref<8x4096xf32, #tpu.memory_space<hbm>>) target_semaphore(%arg10 : memref<!tpu.dma_semaphore, #tpu.memory_space<semaphore_mem>>)
    } else {
    }
    %add3A_26 = arith.constant 64 : i32
    %add3A_27 = arith.addi %add3A, %add3A_26 : i32
    %lt3A_28 = arith.constant 260 : i32
    %lt3A_29 = arith.cmpi slt, %add3A_27, %lt3A_28 : i32
    %convert_element_type3A_30 = arith.extui %lt3A_29 : i1 to i32
    %cond3A_31 = arith.constant 0 : i32
    %cond3A_32 = arith.cmpi ne, %convert_element_type3A_30, %cond3A_31 : i32
    scf.if %cond3A_32 {
      %mul3A_250 = arith.constant 8 : i32
      %mul3A_251 = arith.muli %add3A_27, %mul3A_250 : i32
      %multiple_of3A = tpu.assume_multiple %mul3A_251, 8 : i32
      %dma_start3A = arith.constant 2 : i32
      %dma_start3A_252 = arith.constant 0 : i32
      %dma_start3A_253 = arith.constant 0 : i32
      %dma_start3A_254 = tpu.memref_slice %arg6[%dma_start3A, %dma_start3A_252, %dma_start3A_253] : memref<3x8x4096xf32, #tpu.memory_space<vmem>> -> memref<1x8x4096xf32, #tpu.memory_space<vmem>>
      %dma_start3A_255 = tpu.memref_squeeze %dma_start3A_254 : memref<1x8x4096xf32, #tpu.memory_space<vmem>> -> memref<8x4096xf32, #tpu.memory_space<vmem>>
      %dma_start3A_256 = tpu.memref_slice %arg5[%multiple_of3A] : memref<2080xi32, #tpu.memory_space<vmem>> -> memref<8xi32, #tpu.memory_space<vmem>>
      %dma_start3A_257 = arith.constant 0 : i32
      %dma_start3A_258 = arith.constant 0 : i32
      %dma_start3A_259 = tpu.memref_slice %arg2[%dma_start3A_257, %dma_start3A_258] : memref<4096x4096xf32, #tpu.memory_space<hbm>> -> memref<4096x4096xf32, #tpu.memory_space<hbm>>
      tpu.enqueue_indirect_dma source(%dma_start3A_259 : memref<4096x4096xf32, #tpu.memory_space<hbm>>) target(%dma_start3A_255 : memref<8x4096xf32, #tpu.memory_space<vmem>>) offsets(%dma_start3A_256 : memref<8xi32, #tpu.memory_space<vmem>>) semaphore(%arg9 : memref<!tpu.dma_semaphore, #tpu.memory_space<semaphore_mem>>)
    } else {
    }
    %add3A_33 = arith.constant 32 : i32
    %add3A_34 = arith.addi %add3A, %add3A_33 : i32
    %lt3A_35 = arith.constant 260 : i32
    %lt3A_36 = arith.cmpi slt, %add3A_34, %lt3A_35 : i32
    %convert_element_type3A_37 = arith.extui %lt3A_36 : i1 to i32
    %cond3A_38 = arith.constant 0 : i32
    %cond3A_39 = arith.cmpi ne, %convert_element_type3A_37, %cond3A_38 : i32
    scf.if %cond3A_39 {
      %mul3A_250 = arith.constant 8 : i32
      %mul3A_251 = arith.muli %add3A_34, %mul3A_250 : i32
      %multiple_of3A = tpu.assume_multiple %mul3A_251, 8 : i32
      %dma_wait3A = arith.constant 1 : i32
      %dma_wait3A_252 = arith.constant 0 : i32
      %dma_wait3A_253 = arith.constant 0 : i32
      %dma_wait3A_254 = tpu.memref_slice %arg6[%dma_wait3A, %dma_wait3A_252, %dma_wait3A_253] : memref<3x8x4096xf32, #tpu.memory_space<vmem>> -> memref<1x8x4096xf32, #tpu.memory_space<vmem>>
      %dma_wait3A_255 = tpu.memref_squeeze %dma_wait3A_254 : memref<1x8x4096xf32, #tpu.memory_space<vmem>> -> memref<8x4096xf32, #tpu.memory_space<vmem>>
      %dma_wait3A_256 = tpu.memref_slice %arg5[%multiple_of3A] : memref<2080xi32, #tpu.memory_space<vmem>> -> memref<8xi32, #tpu.memory_space<vmem>>
      %dma_wait3A_257 = arith.constant 0 : i32
      %dma_wait3A_258 = arith.constant 0 : i32
      %dma_wait3A_259 = tpu.memref_slice %arg2[%dma_wait3A_257, %dma_wait3A_258] : memref<4096x4096xf32, #tpu.memory_space<hbm>> -> memref<4096x4096xf32, #tpu.memory_space<hbm>>
      tpu.wait_indirect_dma semaphore(%arg8 : memref<!tpu.dma_semaphore, #tpu.memory_space<semaphore_mem>>) src(%dma_wait3A_259 : memref<4096x4096xf32, #tpu.memory_space<hbm>>) dst(%dma_wait3A_255 : memref<8x4096xf32, #tpu.memory_space<vmem>>)
    } else {
    }
    %add3A_40 = arith.constant 32 : i32
    %add3A_41 = arith.addi %add3A, %add3A_40 : i32
    %lt3A_42 = arith.constant 260 : i32
    %lt3A_43 = arith.cmpi slt, %add3A_41, %lt3A_42 : i32
    %convert_element_type3A_44 = arith.extui %lt3A_43 : i1 to i32
    %cond3A_45 = arith.constant 0 : i32
    %cond3A_46 = arith.cmpi ne, %convert_element_type3A_44, %cond3A_45 : i32
    scf.if %cond3A_46 {
      %mul3A_250 = arith.constant 8 : i32
      %mul3A_251 = arith.muli %add3A_41, %mul3A_250 : i32
      %multiple_of3A = tpu.assume_multiple %mul3A_251, 8 : i32
      %dma_start3A = arith.constant 1 : i32
      %dma_start3A_252 = arith.constant 0 : i32
      %dma_start3A_253 = arith.constant 0 : i32
      %dma_start3A_254 = tpu.memref_slice %arg6[%dma_start3A, %dma_start3A_252, %dma_start3A_253] : memref<3x8x4096xf32, #tpu.memory_space<vmem>> -> memref<1x8x4096xf32, #tpu.memory_space<vmem>>
      %dma_start3A_255 = tpu.memref_squeeze %dma_start3A_254 : memref<1x8x4096xf32, #tpu.memory_space<vmem>> -> memref<8x4096xf32, #tpu.memory_space<vmem>>
      %dma_start3A_256 = arith.constant 0 : i32
      %dma_start3A_257 = tpu.memref_slice %arg4[%multiple_of3A, %dma_start3A_256] : memref<2080x4096xf32, #tpu.memory_space<hbm>> -> memref<8x4096xf32, #tpu.memory_space<hbm>>
      %dma_start3A_258 = arith.constant 0 : i32
      %dma_start3A_259 = tpu.memref_slice %arg4[%multiple_of3A, %dma_start3A_258] : memref<2080x4096xf32, #tpu.memory_space<hbm>> -> memref<8x4096xf32, #tpu.memory_space<hbm>>
      %dma_start3A_260 = arith.constant 0 : i32
      %dma_start3A_261 = arith.constant 0 : i32
      %dma_start3A_262 = tpu.memref_slice %arg6[%dma_start3A, %dma_start3A_260, %dma_start3A_261] : memref<3x8x4096xf32, #tpu.memory_space<vmem>> -> memref<1x8x4096xf32, #tpu.memory_space<vmem>>
      %dma_start3A_263 = tpu.memref_squeeze %dma_start3A_262 : memref<1x8x4096xf32, #tpu.memory_space<vmem>> -> memref<8x4096xf32, #tpu.memory_space<vmem>>
      tpu.enqueue_dma source(%dma_start3A_263 : memref<8x4096xf32, #tpu.memory_space<vmem>>) target(%dma_start3A_259 : memref<8x4096xf32, #tpu.memory_space<hbm>>) target_semaphore(%arg11 : memref<!tpu.dma_semaphore, #tpu.memory_space<semaphore_mem>>)
    } else {
    }
    %add3A_47 = arith.constant 0 : i32
    %add3A_48 = arith.addi %add3A, %add3A_47 : i32
    %lt3A_49 = arith.constant 260 : i32
    %lt3A_50 = arith.cmpi slt, %add3A_48, %lt3A_49 : i32
    %convert_element_type3A_51 = arith.extui %lt3A_50 : i1 to i32
    %cond3A_52 = arith.constant 0 : i32
    %cond3A_53 = arith.cmpi ne, %convert_element_type3A_51, %cond3A_52 : i32
    scf.if %cond3A_53 {
      %mul3A_250 = arith.constant 8 : i32
      %mul3A_251 = arith.muli %add3A_48, %mul3A_250 : i32
      %multiple_of3A = tpu.assume_multiple %mul3A_251, 8 : i32
      %dma_wait3A = arith.constant 0 : i32
      %dma_wait3A_252 = arith.constant 0 : i32
      %dma_wait3A_253 = arith.constant 0 : i32
      %dma_wait3A_254 = tpu.memref_slice %arg6[%dma_wait3A, %dma_wait3A_252, %dma_wait3A_253] : memref<3x8x4096xf32, #tpu.memory_space<vmem>> -> memref<1x8x4096xf32, #tpu.memory_space<vmem>>
      %dma_wait3A_255 = tpu.memref_squeeze %dma_wait3A_254 : memref<1x8x4096xf32, #tpu.memory_space<vmem>> -> memref<8x4096xf32, #tpu.memory_space<vmem>>
      %dma_wait3A_256 = arith.constant 0 : i32
      %dma_wait3A_257 = tpu.memref_slice %arg4[%multiple_of3A, %dma_wait3A_256] : memref<2080x4096xf32, #tpu.memory_space<hbm>> -> memref<8x4096xf32, #tpu.memory_space<hbm>>
      %dma_wait3A_258 = arith.constant 0 : i32
      %dma_wait3A_259 = tpu.memref_slice %arg4[%multiple_of3A, %dma_wait3A_258] : memref<2080x4096xf32, #tpu.memory_space<hbm>> -> memref<8x4096xf32, #tpu.memory_space<hbm>>
      %dma_wait3A_260 = arith.constant 0 : i32
      %dma_wait3A_261 = arith.constant 0 : i32
      %dma_wait3A_262 = tpu.memref_slice %arg6[%dma_wait3A, %dma_wait3A_260, %dma_wait3A_261] : memref<3x8x4096xf32, #tpu.memory_space<vmem>> -> memref<1x8x4096xf32, #tpu.memory_space<vmem>>
      %dma_wait3A_263 = tpu.memref_squeeze %dma_wait3A_262 : memref<1x8x4096xf32, #tpu.memory_space<vmem>> -> memref<8x4096xf32, #tpu.memory_space<vmem>>
      tpu.wait_dma2 semaphore(%arg10 : memref<!tpu.dma_semaphore, #tpu.memory_space<semaphore_mem>>) src(%dma_wait3A_263 : memref<8x4096xf32, #tpu.memory_space<vmem>>) dst(%dma_wait3A_259 : memref<8x4096xf32, #tpu.memory_space<hbm>>)
    } else {
    }
    %add3A_54 = arith.constant 96 : i32
    %add3A_55 = arith.addi %add3A, %add3A_54 : i32
    %lt3A_56 = arith.constant 260 : i32
    %lt3A_57 = arith.cmpi slt, %add3A_55, %lt3A_56 : i32
    %convert_element_type3A_58 = arith.extui %lt3A_57 : i1 to i32
    %cond3A_59 = arith.constant 0 : i32
    %cond3A_60 = arith.cmpi ne, %convert_element_type3A_58, %cond3A_59 : i32
    scf.if %cond3A_60 {
      %mul3A_250 = arith.constant 8 : i32
      %mul3A_251 = arith.muli %add3A_55, %mul3A_250 : i32
      %multiple_of3A = tpu.assume_multiple %mul3A_251, 8 : i32
      %dma_start3A = arith.constant 0 : i32
      %dma_start3A_252 = arith.constant 0 : i32
      %dma_start3A_253 = arith.constant 0 : i32
      %dma_start3A_254 = tpu.memref_slice %arg6[%dma_start3A, %dma_start3A_252, %dma_start3A_253] : memref<3x8x4096xf32, #tpu.memory_space<vmem>> -> memref<1x8x4096xf32, #tpu.memory_space<vmem>>
      %dma_start3A_255 = tpu.memref_squeeze %dma_start3A_254 : memref<1x8x4096xf32, #tpu.memory_space<vmem>> -> memref<8x4096xf32, #tpu.memory_space<vmem>>
      %dma_start3A_256 = tpu.memref_slice %arg5[%multiple_of3A] : memref<2080xi32, #tpu.memory_space<vmem>> -> memref<8xi32, #tpu.memory_space<vmem>>
      %dma_start3A_257 = arith.constant 0 : i32
      %dma_start3A_258 = arith.constant 0 : i32
      %dma_start3A_259 = tpu.memref_slice %arg2[%dma_start3A_257, %dma_start3A_258] : memref<4096x4096xf32, #tpu.memory_space<hbm>> -> memref<4096x4096xf32, #tpu.memory_space<hbm>>
      tpu.enqueue_indirect_dma source(%dma_start3A_259 : memref<4096x4096xf32, #tpu.memory_space<hbm>>) target(%dma_start3A_255 : memref<8x4096xf32, #tpu.memory_space<vmem>>) offsets(%dma_start3A_256 : memref<8xi32, #tpu.memory_space<vmem>>) semaphore(%arg7 : memref<!tpu.dma_semaphore, #tpu.memory_space<semaphore_mem>>)
    } else {
    }
    %add3A_61 = arith.constant 64 : i32
    %add3A_62 = arith.addi %add3A, %add3A_61 : i32
    %lt3A_63 = arith.constant 260 : i32
    %lt3A_64 = arith.cmpi slt, %add3A_62, %lt3A_63 : i32
    %convert_element_type3A_65 = arith.extui %lt3A_64 : i1 to i32
    %cond3A_66 = arith.constant 0 : i32
    %cond3A_67 = arith.cmpi ne, %convert_element_type3A_65, %cond3A_66 : i32
    scf.if %cond3A_67 {
      %mul3A_250 = arith.constant 8 : i32
      %mul3A_251 = arith.muli %add3A_62, %mul3A_250 : i32
      %multiple_of3A = tpu.assume_multiple %mul3A_251, 8 : i32
      %dma_wait3A = arith.constant 2 : i32
      %dma_wait3A_252 = arith.constant 0 : i32
      %dma_wait3A_253 = arith.constant 0 : i32
      %dma_wait3A_254 = tpu.memref_slice %arg6[%dma_wait3A, %dma_wait3A_252, %dma_wait3A_253] : memref<3x8x4096xf32, #tpu.memory_space<vmem>> -> memref<1x8x4096xf32, #tpu.memory_space<vmem>>
      %dma_wait3A_255 = tpu.memref_squeeze %dma_wait3A_254 : memref<1x8x4096xf32, #tpu.memory_space<vmem>> -> memref<8x4096xf32, #tpu.memory_space<vmem>>
      %dma_wait3A_256 = tpu.memref_slice %arg5[%multiple_of3A] : memref<2080xi32, #tpu.memory_space<vmem>> -> memref<8xi32, #tpu.memory_space<vmem>>
      %dma_wait3A_257 = arith.constant 0 : i32
      %dma_wait3A_258 = arith.constant 0 : i32
      %dma_wait3A_259 = tpu.memref_slice %arg2[%dma_wait3A_257, %dma_wait3A_258] : memref<4096x4096xf32, #tpu.memory_space<hbm>> -> memref<4096x4096xf32, #tpu.memory_space<hbm>>
      tpu.wait_indirect_dma semaphore(%arg9 : memref<!tpu.dma_semaphore, #tpu.memory_space<semaphore_mem>>) src(%dma_wait3A_259 : memref<4096x4096xf32, #tpu.memory_space<hbm>>) dst(%dma_wait3A_255 : memref<8x4096xf32, #tpu.memory_space<vmem>>)
    } else {
    }
    %add3A_68 = arith.constant 64 : i32
    %add3A_69 = arith.addi %add3A, %add3A_68 : i32
    %lt3A_70 = arith.constant 260 : i32
    %lt3A_71 = arith.cmpi slt, %add3A_69, %lt3A_70 : i32
    %convert_element_type3A_72 = arith.extui %lt3A_71 : i1 to i32
    %cond3A_73 = arith.constant 0 : i32
    %cond3A_74 = arith.cmpi ne, %convert_element_type3A_72, %cond3A_73 : i32
    scf.if %cond3A_74 {
      %mul3A_250 = arith.constant 8 : i32
      %mul3A_251 = arith.muli %add3A_69, %mul3A_250 : i32
      %multiple_of3A = tpu.assume_multiple %mul3A_251, 8 : i32
      %dma_start3A = arith.constant 2 : i32
      %dma_start3A_252 = arith.constant 0 : i32
      %dma_start3A_253 = arith.constant 0 : i32
      %dma_start3A_254 = tpu.memref_slice %arg6[%dma_start3A, %dma_start3A_252, %dma_start3A_253] : memref<3x8x4096xf32, #tpu.memory_space<vmem>> -> memref<1x8x4096xf32, #tpu.memory_space<vmem>>
      %dma_start3A_255 = tpu.memref_squeeze %dma_start3A_254 : memref<1x8x4096xf32, #tpu.memory_space<vmem>> -> memref<8x4096xf32, #tpu.memory_space<vmem>>
      %dma_start3A_256 = arith.constant 0 : i32
      %dma_start3A_257 = tpu.memref_slice %arg4[%multiple_of3A, %dma_start3A_256] : memref<2080x4096xf32, #tpu.memory_space<hbm>> -> memref<8x4096xf32, #tpu.memory_space<hbm>>
      %dma_start3A_258 = arith.constant 0 : i32
      %dma_start3A_259 = tpu.memref_slice %arg4[%multiple_of3A, %dma_start3A_258] : memref<2080x4096xf32, #tpu.memory_space<hbm>> -> memref<8x4096xf32, #tpu.memory_space<hbm>>
      %dma_start3A_260 = arith.constant 0 : i32
      %dma_start3A_261 = arith.constant 0 : i32
      %dma_start3A_262 = tpu.memref_slice %arg6[%dma_start3A, %dma_start3A_260, %dma_start3A_261] : memref<3x8x4096xf32, #tpu.memory_space<vmem>> -> memref<1x8x4096xf32, #tpu.memory_space<vmem>>
      %dma_start3A_263 = tpu.memref_squeeze %dma_start3A_262 : memref<1x8x4096xf32, #tpu.memory_space<vmem>> -> memref<8x4096xf32, #tpu.memory_space<vmem>>
      tpu.enqueue_dma source(%dma_start3A_263 : memref<8x4096xf32, #tpu.memory_space<vmem>>) target(%dma_start3A_259 : memref<8x4096xf32, #tpu.memory_space<hbm>>) target_semaphore(%arg12 : memref<!tpu.dma_semaphore, #tpu.memory_space<semaphore_mem>>)
    } else {
    }
    %add3A_75 = arith.constant 32 : i32
    %add3A_76 = arith.addi %add3A, %add3A_75 : i32
    %lt3A_77 = arith.constant 260 : i32
    %lt3A_78 = arith.cmpi slt, %add3A_76, %lt3A_77 : i32
    %convert_element_type3A_79 = arith.extui %lt3A_78 : i1 to i32
    %cond3A_80 = arith.constant 0 : i32
    %cond3A_81 = arith.cmpi ne, %convert_element_type3A_79, %cond3A_80 : i32
    scf.if %cond3A_81 {
      %mul3A_250 = arith.constant 8 : i32
      %mul3A_251 = arith.muli %add3A_76, %mul3A_250 : i32
      %multiple_of3A = tpu.assume_multiple %mul3A_251, 8 : i32
      %dma_wait3A = arith.constant 1 : i32
      %dma_wait3A_252 = arith.constant 0 : i32
      %dma_wait3A_253 = arith.constant 0 : i32
      %dma_wait3A_254 = tpu.memref_slice %arg6[%dma_wait3A, %dma_wait3A_252, %dma_wait3A_253] : memref<3x8x4096xf32, #tpu.memory_space<vmem>> -> memref<1x8x4096xf32, #tpu.memory_space<vmem>>
      %dma_wait3A_255 = tpu.memref_squeeze %dma_wait3A_254 : memref<1x8x4096xf32, #tpu.memory_space<vmem>> -> memref<8x4096xf32, #tpu.memory_space<vmem>>
      %dma_wait3A_256 = arith.constant 0 : i32
      %dma_wait3A_257 = tpu.memref_slice %arg4[%multiple_of3A, %dma_wait3A_256] : memref<2080x4096xf32, #tpu.memory_space<hbm>> -> memref<8x4096xf32, #tpu.memory_space<hbm>>
      %dma_wait3A_258 = arith.constant 0 : i32
      %dma_wait3A_259 = tpu.memref_slice %arg4[%multiple_of3A, %dma_wait3A_258] : memref<2080x4096xf32, #tpu.memory_space<hbm>> -> memref<8x4096xf32, #tpu.memory_space<hbm>>
      %dma_wait3A_260 = arith.constant 0 : i32
      %dma_wait3A_261 = arith.constant 0 : i32
      %dma_wait3A_262 = tpu.memref_slice %arg6[%dma_wait3A, %dma_wait3A_260, %dma_wait3A_261] : memref<3x8x4096xf32, #tpu.memory_space<vmem>> -> memref<1x8x4096xf32, #tpu.memory_space<vmem>>
      %dma_wait3A_263 = tpu.memref_squeeze %dma_wait3A_262 : memref<1x8x4096xf32, #tpu.memory_space<vmem>> -> memref<8x4096xf32, #tpu.memory_space<vmem>>
      tpu.wait_dma2 semaphore(%arg11 : memref<!tpu.dma_semaphore, #tpu.memory_space<semaphore_mem>>) src(%dma_wait3A_263 : memref<8x4096xf32, #tpu.memory_space<vmem>>) dst(%dma_wait3A_259 : memref<8x4096xf32, #tpu.memory_space<hbm>>)
    } else {
    }
    %add3A_82 = arith.constant 128 : i32
    %add3A_83 = arith.addi %add3A, %add3A_82 : i32
    %lt3A_84 = arith.constant 260 : i32
    %lt3A_85 = arith.cmpi slt, %add3A_83, %lt3A_84 : i32
    %convert_element_type3A_86 = arith.extui %lt3A_85 : i1 to i32
    %cond3A_87 = arith.constant 0 : i32
    %cond3A_88 = arith.cmpi ne, %convert_element_type3A_86, %cond3A_87 : i32
    scf.if %cond3A_88 {
      %mul3A_250 = arith.constant 8 : i32
      %mul3A_251 = arith.muli %add3A_83, %mul3A_250 : i32
      %multiple_of3A = tpu.assume_multiple %mul3A_251, 8 : i32
      %dma_start3A = arith.constant 1 : i32
      %dma_start3A_252 = arith.constant 0 : i32
      %dma_start3A_253 = arith.constant 0 : i32
      %dma_start3A_254 = tpu.memref_slice %arg6[%dma_start3A, %dma_start3A_252, %dma_start3A_253] : memref<3x8x4096xf32, #tpu.memory_space<vmem>> -> memref<1x8x4096xf32, #tpu.memory_space<vmem>>
      %dma_start3A_255 = tpu.memref_squeeze %dma_start3A_254 : memref<1x8x4096xf32, #tpu.memory_space<vmem>> -> memref<8x4096xf32, #tpu.memory_space<vmem>>
      %dma_start3A_256 = tpu.memref_slice %arg5[%multiple_of3A] : memref<2080xi32, #tpu.memory_space<vmem>> -> memref<8xi32, #tpu.memory_space<vmem>>
      %dma_start3A_257 = arith.constant 0 : i32
      %dma_start3A_258 = arith.constant 0 : i32
      %dma_start3A_259 = tpu.memref_slice %arg2[%dma_start3A_257, %dma_start3A_258] : memref<4096x4096xf32, #tpu.memory_space<hbm>> -> memref<4096x4096xf32, #tpu.memory_space<hbm>>
      tpu.enqueue_indirect_dma source(%dma_start3A_259 : memref<4096x4096xf32, #tpu.memory_space<hbm>>) target(%dma_start3A_255 : memref<8x4096xf32, #tpu.memory_space<vmem>>) offsets(%dma_start3A_256 : memref<8xi32, #tpu.memory_space<vmem>>) semaphore(%arg8 : memref<!tpu.dma_semaphore, #tpu.memory_space<semaphore_mem>>)
    } else {
    }
    %add3A_89 = arith.constant 96 : i32
    %add3A_90 = arith.addi %add3A, %add3A_89 : i32
    %lt3A_91 = arith.constant 260 : i32
    %lt3A_92 = arith.cmpi slt, %add3A_90, %lt3A_91 : i32
    %convert_element_type3A_93 = arith.extui %lt3A_92 : i1 to i32
    %cond3A_94 = arith.constant 0 : i32
    %cond3A_95 = arith.cmpi ne, %convert_element_type3A_93, %cond3A_94 : i32
    scf.if %cond3A_95 {
      %mul3A_250 = arith.constant 8 : i32
      %mul3A_251 = arith.muli %add3A_90, %mul3A_250 : i32
      %multiple_of3A = tpu.assume_multiple %mul3A_251, 8 : i32
      %dma_wait3A = arith.constant 0 : i32
      %dma_wait3A_252 = arith.constant 0 : i32
      %dma_wait3A_253 = arith.constant 0 : i32
      %dma_wait3A_254 = tpu.memref_slice %arg6[%dma_wait3A, %dma_wait3A_252, %dma_wait3A_253] : memref<3x8x4096xf32, #tpu.memory_space<vmem>> -> memref<1x8x4096xf32, #tpu.memory_space<vmem>>
      %dma_wait3A_255 = tpu.memref_squeeze %dma_wait3A_254 : memref<1x8x4096xf32, #tpu.memory_space<vmem>> -> memref<8x4096xf32, #tpu.memory_space<vmem>>
      %dma_wait3A_256 = tpu.memref_slice %arg5[%multiple_of3A] : memref<2080xi32, #tpu.memory_space<vmem>> -> memref<8xi32, #tpu.memory_space<vmem>>
      %dma_wait3A_257 = arith.constant 0 : i32
      %dma_wait3A_258 = arith.constant 0 : i32
      %dma_wait3A_259 = tpu.memref_slice %arg2[%dma_wait3A_257, %dma_wait3A_258] : memref<4096x4096xf32, #tpu.memory_space<hbm>> -> memref<4096x4096xf32, #tpu.memory_space<hbm>>
      tpu.wait_indirect_dma semaphore(%arg7 : memref<!tpu.dma_semaphore, #tpu.memory_space<semaphore_mem>>) src(%dma_wait3A_259 : memref<4096x4096xf32, #tpu.memory_space<hbm>>) dst(%dma_wait3A_255 : memref<8x4096xf32, #tpu.memory_space<vmem>>)
    } else {
    }
    %add3A_96 = arith.constant 96 : i32
    %add3A_97 = arith.addi %add3A, %add3A_96 : i32
    %lt3A_98 = arith.constant 260 : i32
    %lt3A_99 = arith.cmpi slt, %add3A_97, %lt3A_98 : i32
    %convert_element_type3A_100 = arith.extui %lt3A_99 : i1 to i32
    %cond3A_101 = arith.constant 0 : i32
    %cond3A_102 = arith.cmpi ne, %convert_element_type3A_100, %cond3A_101 : i32
    scf.if %cond3A_102 {
      %mul3A_250 = arith.constant 8 : i32
      %mul3A_251 = arith.muli %add3A_97, %mul3A_250 : i32
      %multiple_of3A = tpu.assume_multiple %mul3A_251, 8 : i32
      %dma_start3A = arith.constant 0 : i32
      %dma_start3A_252 = arith.constant 0 : i32
      %dma_start3A_253 = arith.constant 0 : i32
      %dma_start3A_254 = tpu.memref_slice %arg6[%dma_start3A, %dma_start3A_252, %dma_start3A_253] : memref<3x8x4096xf32, #tpu.memory_space<vmem>> -> memref<1x8x4096xf32, #tpu.memory_space<vmem>>
      %dma_start3A_255 = tpu.memref_squeeze %dma_start3A_254 : memref<1x8x4096xf32, #tpu.memory_space<vmem>> -> memref<8x4096xf32, #tpu.memory_space<vmem>>
      %dma_start3A_256 = arith.constant 0 : i32
      %dma_start3A_257 = tpu.memref_slice %arg4[%multiple_of3A, %dma_start3A_256] : memref<2080x4096xf32, #tpu.memory_space<hbm>> -> memref<8x4096xf32, #tpu.memory_space<hbm>>
      %dma_start3A_258 = arith.constant 0 : i32
      %dma_start3A_259 = tpu.memref_slice %arg4[%multiple_of3A, %dma_start3A_258] : memref<2080x4096xf32, #tpu.memory_space<hbm>> -> memref<8x4096xf32, #tpu.memory_space<hbm>>
      %dma_start3A_260 = arith.constant 0 : i32
      %dma_start3A_261 = arith.constant 0 : i32
      %dma_start3A_262 = tpu.memref_slice %arg6[%dma_start3A, %dma_start3A_260, %dma_start3A_261] : memref<3x8x4096xf32, #tpu.memory_space<vmem>> -> memref<1x8x4096xf32, #tpu.memory_space<vmem>>
      %dma_start3A_263 = tpu.memref_squeeze %dma_start3A_262 : memref<1x8x4096xf32, #tpu.memory_space<vmem>> -> memref<8x4096xf32, #tpu.memory_space<vmem>>
      tpu.enqueue_dma source(%dma_start3A_263 : memref<8x4096xf32, #tpu.memory_space<vmem>>) target(%dma_start3A_259 : memref<8x4096xf32, #tpu.memory_space<hbm>>) target_semaphore(%arg10 : memref<!tpu.dma_semaphore, #tpu.memory_space<semaphore_mem>>)
    } else {
    }
    %add3A_103 = arith.constant 64 : i32
    %add3A_104 = arith.addi %add3A, %add3A_103 : i32
    %lt3A_105 = arith.constant 260 : i32
    %lt3A_106 = arith.cmpi slt, %add3A_104, %lt3A_105 : i32
    %convert_element_type3A_107 = arith.extui %lt3A_106 : i1 to i32
    %cond3A_108 = arith.constant 0 : i32
    %cond3A_109 = arith.cmpi ne, %convert_element_type3A_107, %cond3A_108 : i32
    scf.if %cond3A_109 {
      %mul3A_250 = arith.constant 8 : i32
      %mul3A_251 = arith.muli %add3A_104, %mul3A_250 : i32
      %multiple_of3A = tpu.assume_multiple %mul3A_251, 8 : i32
      %dma_wait3A = arith.constant 2 : i32
      %dma_wait3A_252 = arith.constant 0 : i32
      %dma_wait3A_253 = arith.constant 0 : i32
      %dma_wait3A_254 = tpu.memref_slice %arg6[%dma_wait3A, %dma_wait3A_252, %dma_wait3A_253] : memref<3x8x4096xf32, #tpu.memory_space<vmem>> -> memref<1x8x4096xf32, #tpu.memory_space<vmem>>
      %dma_wait3A_255 = tpu.memref_squeeze %dma_wait3A_254 : memref<1x8x4096xf32, #tpu.memory_space<vmem>> -> memref<8x4096xf32, #tpu.memory_space<vmem>>
      %dma_wait3A_256 = arith.constant 0 : i32
      %dma_wait3A_257 = tpu.memref_slice %arg4[%multiple_of3A, %dma_wait3A_256] : memref<2080x4096xf32, #tpu.memory_space<hbm>> -> memref<8x4096xf32, #tpu.memory_space<hbm>>
      %dma_wait3A_258 = arith.constant 0 : i32
      %dma_wait3A_259 = tpu.memref_slice %arg4[%multiple_of3A, %dma_wait3A_258] : memref<2080x4096xf32, #tpu.memory_space<hbm>> -> memref<8x4096xf32, #tpu.memory_space<hbm>>
      %dma_wait3A_260 = arith.constant 0 : i32
      %dma_wait3A_261 = arith.constant 0 : i32
      %dma_wait3A_262 = tpu.memref_slice %arg6[%dma_wait3A, %dma_wait3A_260, %dma_wait3A_261] : memref<3x8x4096xf32, #tpu.memory_space<vmem>> -> memref<1x8x4096xf32, #tpu.memory_space<vmem>>
      %dma_wait3A_263 = tpu.memref_squeeze %dma_wait3A_262 : memref<1x8x4096xf32, #tpu.memory_space<vmem>> -> memref<8x4096xf32, #tpu.memory_space<vmem>>
      tpu.wait_dma2 semaphore(%arg12 : memref<!tpu.dma_semaphore, #tpu.memory_space<semaphore_mem>>) src(%dma_wait3A_263 : memref<8x4096xf32, #tpu.memory_space<vmem>>) dst(%dma_wait3A_259 : memref<8x4096xf32, #tpu.memory_space<hbm>>)
    } else {
    }
    %add3A_110 = arith.constant 160 : i32
    %add3A_111 = arith.addi %add3A, %add3A_110 : i32
    %lt3A_112 = arith.constant 260 : i32
    %lt3A_113 = arith.cmpi slt, %add3A_111, %lt3A_112 : i32
    %convert_element_type3A_114 = arith.extui %lt3A_113 : i1 to i32
    %cond3A_115 = arith.constant 0 : i32
    %cond3A_116 = arith.cmpi ne, %convert_element_type3A_114, %cond3A_115 : i32
    scf.if %cond3A_116 {
      %mul3A_250 = arith.constant 8 : i32
      %mul3A_251 = arith.muli %add3A_111, %mul3A_250 : i32
      %multiple_of3A = tpu.assume_multiple %mul3A_251, 8 : i32
      %dma_start3A = arith.constant 2 : i32
      %dma_start3A_252 = arith.constant 0 : i32
      %dma_start3A_253 = arith.constant 0 : i32
      %dma_start3A_254 = tpu.memref_slice %arg6[%dma_start3A, %dma_start3A_252, %dma_start3A_253] : memref<3x8x4096xf32, #tpu.memory_space<vmem>> -> memref<1x8x4096xf32, #tpu.memory_space<vmem>>
      %dma_start3A_255 = tpu.memref_squeeze %dma_start3A_254 : memref<1x8x4096xf32, #tpu.memory_space<vmem>> -> memref<8x4096xf32, #tpu.memory_space<vmem>>
      %dma_start3A_256 = tpu.memref_slice %arg5[%multiple_of3A] : memref<2080xi32, #tpu.memory_space<vmem>> -> memref<8xi32, #tpu.memory_space<vmem>>
      %dma_start3A_257 = arith.constant 0 : i32
      %dma_start3A_258 = arith.constant 0 : i32
      %dma_start3A_259 = tpu.memref_slice %arg2[%dma_start3A_257, %dma_start3A_258] : memref<4096x4096xf32, #tpu.memory_space<hbm>> -> memref<4096x4096xf32, #tpu.memory_space<hbm>>
      tpu.enqueue_indirect_dma source(%dma_start3A_259 : memref<4096x4096xf32, #tpu.memory_space<hbm>>) target(%dma_start3A_255 : memref<8x4096xf32, #tpu.memory_space<vmem>>) offsets(%dma_start3A_256 : memref<8xi32, #tpu.memory_space<vmem>>) semaphore(%arg9 : memref<!tpu.dma_semaphore, #tpu.memory_space<semaphore_mem>>)
    } else {
    }
    %add3A_117 = arith.constant 128 : i32
    %add3A_118 = arith.addi %add3A, %add3A_117 : i32
    %lt3A_119 = arith.constant 260 : i32
    %lt3A_120 = arith.cmpi slt, %add3A_118, %lt3A_119 : i32
    %convert_element_type3A_121 = arith.extui %lt3A_120 : i1 to i32
    %cond3A_122 = arith.constant 0 : i32
    %cond3A_123 = arith.cmpi ne, %convert_element_type3A_121, %cond3A_122 : i32
    scf.if %cond3A_123 {
      %mul3A_250 = arith.constant 8 : i32
      %mul3A_251 = arith.muli %add3A_118, %mul3A_250 : i32
      %multiple_of3A = tpu.assume_multiple %mul3A_251, 8 : i32
      %dma_wait3A = arith.constant 1 : i32
      %dma_wait3A_252 = arith.constant 0 : i32
      %dma_wait3A_253 = arith.constant 0 : i32
      %dma_wait3A_254 = tpu.memref_slice %arg6[%dma_wait3A, %dma_wait3A_252, %dma_wait3A_253] : memref<3x8x4096xf32, #tpu.memory_space<vmem>> -> memref<1x8x4096xf32, #tpu.memory_space<vmem>>
      %dma_wait3A_255 = tpu.memref_squeeze %dma_wait3A_254 : memref<1x8x4096xf32, #tpu.memory_space<vmem>> -> memref<8x4096xf32, #tpu.memory_space<vmem>>
      %dma_wait3A_256 = tpu.memref_slice %arg5[%multiple_of3A] : memref<2080xi32, #tpu.memory_space<vmem>> -> memref<8xi32, #tpu.memory_space<vmem>>
      %dma_wait3A_257 = arith.constant 0 : i32
      %dma_wait3A_258 = arith.constant 0 : i32
      %dma_wait3A_259 = tpu.memref_slice %arg2[%dma_wait3A_257, %dma_wait3A_258] : memref<4096x4096xf32, #tpu.memory_space<hbm>> -> memref<4096x4096xf32, #tpu.memory_space<hbm>>
      tpu.wait_indirect_dma semaphore(%arg8 : memref<!tpu.dma_semaphore, #tpu.memory_space<semaphore_mem>>) src(%dma_wait3A_259 : memref<4096x4096xf32, #tpu.memory_space<hbm>>) dst(%dma_wait3A_255 : memref<8x4096xf32, #tpu.memory_space<vmem>>)
    } else {
    }
    %add3A_124 = arith.constant 128 : i32
    %add3A_125 = arith.addi %add3A, %add3A_124 : i32
    %lt3A_126 = arith.constant 260 : i32
    %lt3A_127 = arith.cmpi slt, %add3A_125, %lt3A_126 : i32
    %convert_element_type3A_128 = arith.extui %lt3A_127 : i1 to i32
    %cond3A_129 = arith.constant 0 : i32
    %cond3A_130 = arith.cmpi ne, %convert_element_type3A_128, %cond3A_129 : i32
    scf.if %cond3A_130 {
      %mul3A_250 = arith.constant 8 : i32
      %mul3A_251 = arith.muli %add3A_125, %mul3A_250 : i32
      %multiple_of3A = tpu.assume_multiple %mul3A_251, 8 : i32
      %dma_start3A = arith.constant 1 : i32
      %dma_start3A_252 = arith.constant 0 : i32
      %dma_start3A_253 = arith.constant 0 : i32
      %dma_start3A_254 = tpu.memref_slice %arg6[%dma_start3A, %dma_start3A_252, %dma_start3A_253] : memref<3x8x4096xf32, #tpu.memory_space<vmem>> -> memref<1x8x4096xf32, #tpu.memory_space<vmem>>
      %dma_start3A_255 = tpu.memref_squeeze %dma_start3A_254 : memref<1x8x4096xf32, #tpu.memory_space<vmem>> -> memref<8x4096xf32, #tpu.memory_space<vmem>>
      %dma_start3A_256 = arith.constant 0 : i32
      %dma_start3A_257 = tpu.memref_slice %arg4[%multiple_of3A, %dma_start3A_256] : memref<2080x4096xf32, #tpu.memory_space<hbm>> -> memref<8x4096xf32, #tpu.memory_space<hbm>>
      %dma_start3A_258 = arith.constant 0 : i32
      %dma_start3A_259 = tpu.memref_slice %arg4[%multiple_of3A, %dma_start3A_258] : memref<2080x4096xf32, #tpu.memory_space<hbm>> -> memref<8x4096xf32, #tpu.memory_space<hbm>>
      %dma_start3A_260 = arith.constant 0 : i32
      %dma_start3A_261 = arith.constant 0 : i32
      %dma_start3A_262 = tpu.memref_slice %arg6[%dma_start3A, %dma_start3A_260, %dma_start3A_261] : memref<3x8x4096xf32, #tpu.memory_space<vmem>> -> memref<1x8x4096xf32, #tpu.memory_space<vmem>>
      %dma_start3A_263 = tpu.memref_squeeze %dma_start3A_262 : memref<1x8x4096xf32, #tpu.memory_space<vmem>> -> memref<8x4096xf32, #tpu.memory_space<vmem>>
      tpu.enqueue_dma source(%dma_start3A_263 : memref<8x4096xf32, #tpu.memory_space<vmem>>) target(%dma_start3A_259 : memref<8x4096xf32, #tpu.memory_space<hbm>>) target_semaphore(%arg11 : memref<!tpu.dma_semaphore, #tpu.memory_space<semaphore_mem>>)
    } else {
    }
    %add3A_131 = arith.constant 96 : i32
    %add3A_132 = arith.addi %add3A, %add3A_131 : i32
    %lt3A_133 = arith.constant 260 : i32
    %lt3A_134 = arith.cmpi slt, %add3A_132, %lt3A_133 : i32
    %convert_element_type3A_135 = arith.extui %lt3A_134 : i1 to i32
    %cond3A_136 = arith.constant 0 : i32
    %cond3A_137 = arith.cmpi ne, %convert_element_type3A_135, %cond3A_136 : i32
    scf.if %cond3A_137 {
      %mul3A_250 = arith.constant 8 : i32
      %mul3A_251 = arith.muli %add3A_132, %mul3A_250 : i32
      %multiple_of3A = tpu.assume_multiple %mul3A_251, 8 : i32
      %dma_wait3A = arith.constant 0 : i32
      %dma_wait3A_252 = arith.constant 0 : i32
      %dma_wait3A_253 = arith.constant 0 : i32
      %dma_wait3A_254 = tpu.memref_slice %arg6[%dma_wait3A, %dma_wait3A_252, %dma_wait3A_253] : memref<3x8x4096xf32, #tpu.memory_space<vmem>> -> memref<1x8x4096xf32, #tpu.memory_space<vmem>>
      %dma_wait3A_255 = tpu.memref_squeeze %dma_wait3A_254 : memref<1x8x4096xf32, #tpu.memory_space<vmem>> -> memref<8x4096xf32, #tpu.memory_space<vmem>>
      %dma_wait3A_256 = arith.constant 0 : i32
      %dma_wait3A_257 = tpu.memref_slice %arg4[%multiple_of3A, %dma_wait3A_256] : memref<2080x4096xf32, #tpu.memory_space<hbm>> -> memref<8x4096xf32, #tpu.memory_space<hbm>>
      %dma_wait3A_258 = arith.constant 0 : i32
      %dma_wait3A_259 = tpu.memref_slice %arg4[%multiple_of3A, %dma_wait3A_258] : memref<2080x4096xf32, #tpu.memory_space<hbm>> -> memref<8x4096xf32, #tpu.memory_space<hbm>>
      %dma_wait3A_260 = arith.constant 0 : i32
      %dma_wait3A_261 = arith.constant 0 : i32
      %dma_wait3A_262 = tpu.memref_slice %arg6[%dma_wait3A, %dma_wait3A_260, %dma_wait3A_261] : memref<3x8x4096xf32, #tpu.memory_space<vmem>> -> memref<1x8x4096xf32, #tpu.memory_space<vmem>>
      %dma_wait3A_263 = tpu.memref_squeeze %dma_wait3A_262 : memref<1x8x4096xf32, #tpu.memory_space<vmem>> -> memref<8x4096xf32, #tpu.memory_space<vmem>>
      tpu.wait_dma2 semaphore(%arg10 : memref<!tpu.dma_semaphore, #tpu.memory_space<semaphore_mem>>) src(%dma_wait3A_263 : memref<8x4096xf32, #tpu.memory_space<vmem>>) dst(%dma_wait3A_259 : memref<8x4096xf32, #tpu.memory_space<hbm>>)
    } else {
    }
    %add3A_138 = arith.constant 192 : i32
    %add3A_139 = arith.addi %add3A, %add3A_138 : i32
    %lt3A_140 = arith.constant 260 : i32
    %lt3A_141 = arith.cmpi slt, %add3A_139, %lt3A_140 : i32
    %convert_element_type3A_142 = arith.extui %lt3A_141 : i1 to i32
    %cond3A_143 = arith.constant 0 : i32
    %cond3A_144 = arith.cmpi ne, %convert_element_type3A_142, %cond3A_143 : i32
    scf.if %cond3A_144 {
      %mul3A_250 = arith.constant 8 : i32
      %mul3A_251 = arith.muli %add3A_139, %mul3A_250 : i32
      %multiple_of3A = tpu.assume_multiple %mul3A_251, 8 : i32
      %dma_start3A = arith.constant 0 : i32
      %dma_start3A_252 = arith.constant 0 : i32
      %dma_start3A_253 = arith.constant 0 : i32
      %dma_start3A_254 = tpu.memref_slice %arg6[%dma_start3A, %dma_start3A_252, %dma_start3A_253] : memref<3x8x4096xf32, #tpu.memory_space<vmem>> -> memref<1x8x4096xf32, #tpu.memory_space<vmem>>
      %dma_start3A_255 = tpu.memref_squeeze %dma_start3A_254 : memref<1x8x4096xf32, #tpu.memory_space<vmem>> -> memref<8x4096xf32, #tpu.memory_space<vmem>>
      %dma_start3A_256 = tpu.memref_slice %arg5[%multiple_of3A] : memref<2080xi32, #tpu.memory_space<vmem>> -> memref<8xi32, #tpu.memory_space<vmem>>
      %dma_start3A_257 = arith.constant 0 : i32
      %dma_start3A_258 = arith.constant 0 : i32
      %dma_start3A_259 = tpu.memref_slice %arg2[%dma_start3A_257, %dma_start3A_258] : memref<4096x4096xf32, #tpu.memory_space<hbm>> -> memref<4096x4096xf32, #tpu.memory_space<hbm>>
      tpu.enqueue_indirect_dma source(%dma_start3A_259 : memref<4096x4096xf32, #tpu.memory_space<hbm>>) target(%dma_start3A_255 : memref<8x4096xf32, #tpu.memory_space<vmem>>) offsets(%dma_start3A_256 : memref<8xi32, #tpu.memory_space<vmem>>) semaphore(%arg7 : memref<!tpu.dma_semaphore, #tpu.memory_space<semaphore_mem>>)
    } else {
    }
    %add3A_145 = arith.constant 160 : i32
    %add3A_146 = arith.addi %add3A, %add3A_145 : i32
    %lt3A_147 = arith.constant 260 : i32
    %lt3A_148 = arith.cmpi slt, %add3A_146, %lt3A_147 : i32
    %convert_element_type3A_149 = arith.extui %lt3A_148 : i1 to i32
    %cond3A_150 = arith.constant 0 : i32
    %cond3A_151 = arith.cmpi ne, %convert_element_type3A_149, %cond3A_150 : i32
    scf.if %cond3A_151 {
      %mul3A_250 = arith.constant 8 : i32
      %mul3A_251 = arith.muli %add3A_146, %mul3A_250 : i32
      %multiple_of3A = tpu.assume_multiple %mul3A_251, 8 : i32
      %dma_wait3A = arith.constant 2 : i32
      %dma_wait3A_252 = arith.constant 0 : i32
      %dma_wait3A_253 = arith.constant 0 : i32
      %dma_wait3A_254 = tpu.memref_slice %arg6[%dma_wait3A, %dma_wait3A_252, %dma_wait3A_253] : memref<3x8x4096xf32, #tpu.memory_space<vmem>> -> memref<1x8x4096xf32, #tpu.memory_space<vmem>>
      %dma_wait3A_255 = tpu.memref_squeeze %dma_wait3A_254 : memref<1x8x4096xf32, #tpu.memory_space<vmem>> -> memref<8x4096xf32, #tpu.memory_space<vmem>>
      %dma_wait3A_256 = tpu.memref_slice %arg5[%multiple_of3A] : memref<2080xi32, #tpu.memory_space<vmem>> -> memref<8xi32, #tpu.memory_space<vmem>>
      %dma_wait3A_257 = arith.constant 0 : i32
      %dma_wait3A_258 = arith.constant 0 : i32
      %dma_wait3A_259 = tpu.memref_slice %arg2[%dma_wait3A_257, %dma_wait3A_258] : memref<4096x4096xf32, #tpu.memory_space<hbm>> -> memref<4096x4096xf32, #tpu.memory_space<hbm>>
      tpu.wait_indirect_dma semaphore(%arg9 : memref<!tpu.dma_semaphore, #tpu.memory_space<semaphore_mem>>) src(%dma_wait3A_259 : memref<4096x4096xf32, #tpu.memory_space<hbm>>) dst(%dma_wait3A_255 : memref<8x4096xf32, #tpu.memory_space<vmem>>)
    } else {
    }
    %add3A_152 = arith.constant 160 : i32
    %add3A_153 = arith.addi %add3A, %add3A_152 : i32
    %lt3A_154 = arith.constant 260 : i32
    %lt3A_155 = arith.cmpi slt, %add3A_153, %lt3A_154 : i32
    %convert_element_type3A_156 = arith.extui %lt3A_155 : i1 to i32
    %cond3A_157 = arith.constant 0 : i32
    %cond3A_158 = arith.cmpi ne, %convert_element_type3A_156, %cond3A_157 : i32
    scf.if %cond3A_158 {
      %mul3A_250 = arith.constant 8 : i32
      %mul3A_251 = arith.muli %add3A_153, %mul3A_250 : i32
      %multiple_of3A = tpu.assume_multiple %mul3A_251, 8 : i32
      %dma_start3A = arith.constant 2 : i32
      %dma_start3A_252 = arith.constant 0 : i32
      %dma_start3A_253 = arith.constant 0 : i32
      %dma_start3A_254 = tpu.memref_slice %arg6[%dma_start3A, %dma_start3A_252, %dma_start3A_253] : memref<3x8x4096xf32, #tpu.memory_space<vmem>> -> memref<1x8x4096xf32, #tpu.memory_space<vmem>>
      %dma_start3A_255 = tpu.memref_squeeze %dma_start3A_254 : memref<1x8x4096xf32, #tpu.memory_space<vmem>> -> memref<8x4096xf32, #tpu.memory_space<vmem>>
      %dma_start3A_256 = arith.constant 0 : i32
      %dma_start3A_257 = tpu.memref_slice %arg4[%multiple_of3A, %dma_start3A_256] : memref<2080x4096xf32, #tpu.memory_space<hbm>> -> memref<8x4096xf32, #tpu.memory_space<hbm>>
      %dma_start3A_258 = arith.constant 0 : i32
      %dma_start3A_259 = tpu.memref_slice %arg4[%multiple_of3A, %dma_start3A_258] : memref<2080x4096xf32, #tpu.memory_space<hbm>> -> memref<8x4096xf32, #tpu.memory_space<hbm>>
      %dma_start3A_260 = arith.constant 0 : i32
      %dma_start3A_261 = arith.constant 0 : i32
      %dma_start3A_262 = tpu.memref_slice %arg6[%dma_start3A, %dma_start3A_260, %dma_start3A_261] : memref<3x8x4096xf32, #tpu.memory_space<vmem>> -> memref<1x8x4096xf32, #tpu.memory_space<vmem>>
      %dma_start3A_263 = tpu.memref_squeeze %dma_start3A_262 : memref<1x8x4096xf32, #tpu.memory_space<vmem>> -> memref<8x4096xf32, #tpu.memory_space<vmem>>
      tpu.enqueue_dma source(%dma_start3A_263 : memref<8x4096xf32, #tpu.memory_space<vmem>>) target(%dma_start3A_259 : memref<8x4096xf32, #tpu.memory_space<hbm>>) target_semaphore(%arg12 : memref<!tpu.dma_semaphore, #tpu.memory_space<semaphore_mem>>)
    } else {
    }
    %add3A_159 = arith.constant 128 : i32
    %add3A_160 = arith.addi %add3A, %add3A_159 : i32
    %lt3A_161 = arith.constant 260 : i32
    %lt3A_162 = arith.cmpi slt, %add3A_160, %lt3A_161 : i32
    %convert_element_type3A_163 = arith.extui %lt3A_162 : i1 to i32
    %cond3A_164 = arith.constant 0 : i32
    %cond3A_165 = arith.cmpi ne, %convert_element_type3A_163, %cond3A_164 : i32
    scf.if %cond3A_165 {
      %mul3A_250 = arith.constant 8 : i32
      %mul3A_251 = arith.muli %add3A_160, %mul3A_250 : i32
      %multiple_of3A = tpu.assume_multiple %mul3A_251, 8 : i32
      %dma_wait3A = arith.constant 1 : i32
      %dma_wait3A_252 = arith.constant 0 : i32
      %dma_wait3A_253 = arith.constant 0 : i32
      %dma_wait3A_254 = tpu.memref_slice %arg6[%dma_wait3A, %dma_wait3A_252, %dma_wait3A_253] : memref<3x8x4096xf32, #tpu.memory_space<vmem>> -> memref<1x8x4096xf32, #tpu.memory_space<vmem>>
      %dma_wait3A_255 = tpu.memref_squeeze %dma_wait3A_254 : memref<1x8x4096xf32, #tpu.memory_space<vmem>> -> memref<8x4096xf32, #tpu.memory_space<vmem>>
      %dma_wait3A_256 = arith.constant 0 : i32
      %dma_wait3A_257 = tpu.memref_slice %arg4[%multiple_of3A, %dma_wait3A_256] : memref<2080x4096xf32, #tpu.memory_space<hbm>> -> memref<8x4096xf32, #tpu.memory_space<hbm>>
      %dma_wait3A_258 = arith.constant 0 : i32
      %dma_wait3A_259 = tpu.memref_slice %arg4[%multiple_of3A, %dma_wait3A_258] : memref<2080x4096xf32, #tpu.memory_space<hbm>> -> memref<8x4096xf32, #tpu.memory_space<hbm>>
      %dma_wait3A_260 = arith.constant 0 : i32
      %dma_wait3A_261 = arith.constant 0 : i32
      %dma_wait3A_262 = tpu.memref_slice %arg6[%dma_wait3A, %dma_wait3A_260, %dma_wait3A_261] : memref<3x8x4096xf32, #tpu.memory_space<vmem>> -> memref<1x8x4096xf32, #tpu.memory_space<vmem>>
      %dma_wait3A_263 = tpu.memref_squeeze %dma_wait3A_262 : memref<1x8x4096xf32, #tpu.memory_space<vmem>> -> memref<8x4096xf32, #tpu.memory_space<vmem>>
      tpu.wait_dma2 semaphore(%arg11 : memref<!tpu.dma_semaphore, #tpu.memory_space<semaphore_mem>>) src(%dma_wait3A_263 : memref<8x4096xf32, #tpu.memory_space<vmem>>) dst(%dma_wait3A_259 : memref<8x4096xf32, #tpu.memory_space<hbm>>)
    } else {
    }
    %add3A_166 = arith.constant 224 : i32
    %add3A_167 = arith.addi %add3A, %add3A_166 : i32
    %lt3A_168 = arith.constant 260 : i32
    %lt3A_169 = arith.cmpi slt, %add3A_167, %lt3A_168 : i32
    %convert_element_type3A_170 = arith.extui %lt3A_169 : i1 to i32
    %cond3A_171 = arith.constant 0 : i32
    %cond3A_172 = arith.cmpi ne, %convert_element_type3A_170, %cond3A_171 : i32
    scf.if %cond3A_172 {
      %mul3A_250 = arith.constant 8 : i32
      %mul3A_251 = arith.muli %add3A_167, %mul3A_250 : i32
      %multiple_of3A = tpu.assume_multiple %mul3A_251, 8 : i32
      %dma_start3A = arith.constant 1 : i32
      %dma_start3A_252 = arith.constant 0 : i32
      %dma_start3A_253 = arith.constant 0 : i32
      %dma_start3A_254 = tpu.memref_slice %arg6[%dma_start3A, %dma_start3A_252, %dma_start3A_253] : memref<3x8x4096xf32, #tpu.memory_space<vmem>> -> memref<1x8x4096xf32, #tpu.memory_space<vmem>>
      %dma_start3A_255 = tpu.memref_squeeze %dma_start3A_254 : memref<1x8x4096xf32, #tpu.memory_space<vmem>> -> memref<8x4096xf32, #tpu.memory_space<vmem>>
      %dma_start3A_256 = tpu.memref_slice %arg5[%multiple_of3A] : memref<2080xi32, #tpu.memory_space<vmem>> -> memref<8xi32, #tpu.memory_space<vmem>>
      %dma_start3A_257 = arith.constant 0 : i32
      %dma_start3A_258 = arith.constant 0 : i32
      %dma_start3A_259 = tpu.memref_slice %arg2[%dma_start3A_257, %dma_start3A_258] : memref<4096x4096xf32, #tpu.memory_space<hbm>> -> memref<4096x4096xf32, #tpu.memory_space<hbm>>
      tpu.enqueue_indirect_dma source(%dma_start3A_259 : memref<4096x4096xf32, #tpu.memory_space<hbm>>) target(%dma_start3A_255 : memref<8x4096xf32, #tpu.memory_space<vmem>>) offsets(%dma_start3A_256 : memref<8xi32, #tpu.memory_space<vmem>>) semaphore(%arg8 : memref<!tpu.dma_semaphore, #tpu.memory_space<semaphore_mem>>)
    } else {
    }
    %add3A_173 = arith.constant 192 : i32
    %add3A_174 = arith.addi %add3A, %add3A_173 : i32
    %lt3A_175 = arith.constant 260 : i32
    %lt3A_176 = arith.cmpi slt, %add3A_174, %lt3A_175 : i32
    %convert_element_type3A_177 = arith.extui %lt3A_176 : i1 to i32
    %cond3A_178 = arith.constant 0 : i32
    %cond3A_179 = arith.cmpi ne, %convert_element_type3A_177, %cond3A_178 : i32
    scf.if %cond3A_179 {
      %mul3A_250 = arith.constant 8 : i32
      %mul3A_251 = arith.muli %add3A_174, %mul3A_250 : i32
      %multiple_of3A = tpu.assume_multiple %mul3A_251, 8 : i32
      %dma_wait3A = arith.constant 0 : i32
      %dma_wait3A_252 = arith.constant 0 : i32
      %dma_wait3A_253 = arith.constant 0 : i32
      %dma_wait3A_254 = tpu.memref_slice %arg6[%dma_wait3A, %dma_wait3A_252, %dma_wait3A_253] : memref<3x8x4096xf32, #tpu.memory_space<vmem>> -> memref<1x8x4096xf32, #tpu.memory_space<vmem>>
      %dma_wait3A_255 = tpu.memref_squeeze %dma_wait3A_254 : memref<1x8x4096xf32, #tpu.memory_space<vmem>> -> memref<8x4096xf32, #tpu.memory_space<vmem>>
      %dma_wait3A_256 = tpu.memref_slice %arg5[%multiple_of3A] : memref<2080xi32, #tpu.memory_space<vmem>> -> memref<8xi32, #tpu.memory_space<vmem>>
      %dma_wait3A_257 = arith.constant 0 : i32
      %dma_wait3A_258 = arith.constant 0 : i32
      %dma_wait3A_259 = tpu.memref_slice %arg2[%dma_wait3A_257, %dma_wait3A_258] : memref<4096x4096xf32, #tpu.memory_space<hbm>> -> memref<4096x4096xf32, #tpu.memory_space<hbm>>
      tpu.wait_indirect_dma semaphore(%arg7 : memref<!tpu.dma_semaphore, #tpu.memory_space<semaphore_mem>>) src(%dma_wait3A_259 : memref<4096x4096xf32, #tpu.memory_space<hbm>>) dst(%dma_wait3A_255 : memref<8x4096xf32, #tpu.memory_space<vmem>>)
    } else {
    }
    %add3A_180 = arith.constant 192 : i32
    %add3A_181 = arith.addi %add3A, %add3A_180 : i32
    %lt3A_182 = arith.constant 260 : i32
    %lt3A_183 = arith.cmpi slt, %add3A_181, %lt3A_182 : i32
    %convert_element_type3A_184 = arith.extui %lt3A_183 : i1 to i32
    %cond3A_185 = arith.constant 0 : i32
    %cond3A_186 = arith.cmpi ne, %convert_element_type3A_184, %cond3A_185 : i32
    scf.if %cond3A_186 {
      %mul3A_250 = arith.constant 8 : i32
      %mul3A_251 = arith.muli %add3A_181, %mul3A_250 : i32
      %multiple_of3A = tpu.assume_multiple %mul3A_251, 8 : i32
      %dma_start3A = arith.constant 0 : i32
      %dma_start3A_252 = arith.constant 0 : i32
      %dma_start3A_253 = arith.constant 0 : i32
      %dma_start3A_254 = tpu.memref_slice %arg6[%dma_start3A, %dma_start3A_252, %dma_start3A_253] : memref<3x8x4096xf32, #tpu.memory_space<vmem>> -> memref<1x8x4096xf32, #tpu.memory_space<vmem>>
      %dma_start3A_255 = tpu.memref_squeeze %dma_start3A_254 : memref<1x8x4096xf32, #tpu.memory_space<vmem>> -> memref<8x4096xf32, #tpu.memory_space<vmem>>
      %dma_start3A_256 = arith.constant 0 : i32
      %dma_start3A_257 = tpu.memref_slice %arg4[%multiple_of3A, %dma_start3A_256] : memref<2080x4096xf32, #tpu.memory_space<hbm>> -> memref<8x4096xf32, #tpu.memory_space<hbm>>
      %dma_start3A_258 = arith.constant 0 : i32
      %dma_start3A_259 = tpu.memref_slice %arg4[%multiple_of3A, %dma_start3A_258] : memref<2080x4096xf32, #tpu.memory_space<hbm>> -> memref<8x4096xf32, #tpu.memory_space<hbm>>
      %dma_start3A_260 = arith.constant 0 : i32
      %dma_start3A_261 = arith.constant 0 : i32
      %dma_start3A_262 = tpu.memref_slice %arg6[%dma_start3A, %dma_start3A_260, %dma_start3A_261] : memref<3x8x4096xf32, #tpu.memory_space<vmem>> -> memref<1x8x4096xf32, #tpu.memory_space<vmem>>
      %dma_start3A_263 = tpu.memref_squeeze %dma_start3A_262 : memref<1x8x4096xf32, #tpu.memory_space<vmem>> -> memref<8x4096xf32, #tpu.memory_space<vmem>>
      tpu.enqueue_dma source(%dma_start3A_263 : memref<8x4096xf32, #tpu.memory_space<vmem>>) target(%dma_start3A_259 : memref<8x4096xf32, #tpu.memory_space<hbm>>) target_semaphore(%arg10 : memref<!tpu.dma_semaphore, #tpu.memory_space<semaphore_mem>>)
    } else {
    }
    %add3A_187 = arith.constant 160 : i32
    %add3A_188 = arith.addi %add3A, %add3A_187 : i32
    %lt3A_189 = arith.constant 260 : i32
    %lt3A_190 = arith.cmpi slt, %add3A_188, %lt3A_189 : i32
    %convert_element_type3A_191 = arith.extui %lt3A_190 : i1 to i32
    %cond3A_192 = arith.constant 0 : i32
    %cond3A_193 = arith.cmpi ne, %convert_element_type3A_191, %cond3A_192 : i32
    scf.if %cond3A_193 {
      %mul3A_250 = arith.constant 8 : i32
      %mul3A_251 = arith.muli %add3A_188, %mul3A_250 : i32
      %multiple_of3A = tpu.assume_multiple %mul3A_251, 8 : i32
      %dma_wait3A = arith.constant 2 : i32
      %dma_wait3A_252 = arith.constant 0 : i32
      %dma_wait3A_253 = arith.constant 0 : i32
      %dma_wait3A_254 = tpu.memref_slice %arg6[%dma_wait3A, %dma_wait3A_252, %dma_wait3A_253] : memref<3x8x4096xf32, #tpu.memory_space<vmem>> -> memref<1x8x4096xf32, #tpu.memory_space<vmem>>
      %dma_wait3A_255 = tpu.memref_squeeze %dma_wait3A_254 : memref<1x8x4096xf32, #tpu.memory_space<vmem>> -> memref<8x4096xf32, #tpu.memory_space<vmem>>
      %dma_wait3A_256 = arith.constant 0 : i32
      %dma_wait3A_257 = tpu.memref_slice %arg4[%multiple_of3A, %dma_wait3A_256] : memref<2080x4096xf32, #tpu.memory_space<hbm>> -> memref<8x4096xf32, #tpu.memory_space<hbm>>
      %dma_wait3A_258 = arith.constant 0 : i32
      %dma_wait3A_259 = tpu.memref_slice %arg4[%multiple_of3A, %dma_wait3A_258] : memref<2080x4096xf32, #tpu.memory_space<hbm>> -> memref<8x4096xf32, #tpu.memory_space<hbm>>
      %dma_wait3A_260 = arith.constant 0 : i32
      %dma_wait3A_261 = arith.constant 0 : i32
      %dma_wait3A_262 = tpu.memref_slice %arg6[%dma_wait3A, %dma_wait3A_260, %dma_wait3A_261] : memref<3x8x4096xf32, #tpu.memory_space<vmem>> -> memref<1x8x4096xf32, #tpu.memory_space<vmem>>
      %dma_wait3A_263 = tpu.memref_squeeze %dma_wait3A_262 : memref<1x8x4096xf32, #tpu.memory_space<vmem>> -> memref<8x4096xf32, #tpu.memory_space<vmem>>
      tpu.wait_dma2 semaphore(%arg12 : memref<!tpu.dma_semaphore, #tpu.memory_space<semaphore_mem>>) src(%dma_wait3A_263 : memref<8x4096xf32, #tpu.memory_space<vmem>>) dst(%dma_wait3A_259 : memref<8x4096xf32, #tpu.memory_space<hbm>>)
    } else {
    }
    %add3A_194 = arith.constant 256 : i32
    %add3A_195 = arith.addi %add3A, %add3A_194 : i32
    %lt3A_196 = arith.constant 260 : i32
    %lt3A_197 = arith.cmpi slt, %add3A_195, %lt3A_196 : i32
    %convert_element_type3A_198 = arith.extui %lt3A_197 : i1 to i32
    %cond3A_199 = arith.constant 0 : i32
    %cond3A_200 = arith.cmpi ne, %convert_element_type3A_198, %cond3A_199 : i32
    scf.if %cond3A_200 {
      %mul3A_250 = arith.constant 8 : i32
      %mul3A_251 = arith.muli %add3A_195, %mul3A_250 : i32
      %multiple_of3A = tpu.assume_multiple %mul3A_251, 8 : i32
      %dma_start3A = arith.constant 2 : i32
      %dma_start3A_252 = arith.constant 0 : i32
      %dma_start3A_253 = arith.constant 0 : i32
      %dma_start3A_254 = tpu.memref_slice %arg6[%dma_start3A, %dma_start3A_252, %dma_start3A_253] : memref<3x8x4096xf32, #tpu.memory_space<vmem>> -> memref<1x8x4096xf32, #tpu.memory_space<vmem>>
      %dma_start3A_255 = tpu.memref_squeeze %dma_start3A_254 : memref<1x8x4096xf32, #tpu.memory_space<vmem>> -> memref<8x4096xf32, #tpu.memory_space<vmem>>
      %dma_start3A_256 = tpu.memref_slice %arg5[%multiple_of3A] : memref<2080xi32, #tpu.memory_space<vmem>> -> memref<8xi32, #tpu.memory_space<vmem>>
      %dma_start3A_257 = arith.constant 0 : i32
      %dma_start3A_258 = arith.constant 0 : i32
      %dma_start3A_259 = tpu.memref_slice %arg2[%dma_start3A_257, %dma_start3A_258] : memref<4096x4096xf32, #tpu.memory_space<hbm>> -> memref<4096x4096xf32, #tpu.memory_space<hbm>>
      tpu.enqueue_indirect_dma source(%dma_start3A_259 : memref<4096x4096xf32, #tpu.memory_space<hbm>>) target(%dma_start3A_255 : memref<8x4096xf32, #tpu.memory_space<vmem>>) offsets(%dma_start3A_256 : memref<8xi32, #tpu.memory_space<vmem>>) semaphore(%arg9 : memref<!tpu.dma_semaphore, #tpu.memory_space<semaphore_mem>>)
    } else {
    }
    %add3A_201 = arith.constant 224 : i32
    %add3A_202 = arith.addi %add3A, %add3A_201 : i32
    %lt3A_203 = arith.constant 260 : i32
    %lt3A_204 = arith.cmpi slt, %add3A_202, %lt3A_203 : i32
    %convert_element_type3A_205 = arith.extui %lt3A_204 : i1 to i32
    %cond3A_206 = arith.constant 0 : i32
    %cond3A_207 = arith.cmpi ne, %convert_element_type3A_205, %cond3A_206 : i32
    scf.if %cond3A_207 {
      %mul3A_250 = arith.constant 8 : i32
      %mul3A_251 = arith.muli %add3A_202, %mul3A_250 : i32
      %multiple_of3A = tpu.assume_multiple %mul3A_251, 8 : i32
      %dma_wait3A = arith.constant 1 : i32
      %dma_wait3A_252 = arith.constant 0 : i32
      %dma_wait3A_253 = arith.constant 0 : i32
      %dma_wait3A_254 = tpu.memref_slice %arg6[%dma_wait3A, %dma_wait3A_252, %dma_wait3A_253] : memref<3x8x4096xf32, #tpu.memory_space<vmem>> -> memref<1x8x4096xf32, #tpu.memory_space<vmem>>
      %dma_wait3A_255 = tpu.memref_squeeze %dma_wait3A_254 : memref<1x8x4096xf32, #tpu.memory_space<vmem>> -> memref<8x4096xf32, #tpu.memory_space<vmem>>
      %dma_wait3A_256 = tpu.memref_slice %arg5[%multiple_of3A] : memref<2080xi32, #tpu.memory_space<vmem>> -> memref<8xi32, #tpu.memory_space<vmem>>
      %dma_wait3A_257 = arith.constant 0 : i32
      %dma_wait3A_258 = arith.constant 0 : i32
      %dma_wait3A_259 = tpu.memref_slice %arg2[%dma_wait3A_257, %dma_wait3A_258] : memref<4096x4096xf32, #tpu.memory_space<hbm>> -> memref<4096x4096xf32, #tpu.memory_space<hbm>>
      tpu.wait_indirect_dma semaphore(%arg8 : memref<!tpu.dma_semaphore, #tpu.memory_space<semaphore_mem>>) src(%dma_wait3A_259 : memref<4096x4096xf32, #tpu.memory_space<hbm>>) dst(%dma_wait3A_255 : memref<8x4096xf32, #tpu.memory_space<vmem>>)
    } else {
    }
    %add3A_208 = arith.constant 224 : i32
    %add3A_209 = arith.addi %add3A, %add3A_208 : i32
    %lt3A_210 = arith.constant 260 : i32
    %lt3A_211 = arith.cmpi slt, %add3A_209, %lt3A_210 : i32
    %convert_element_type3A_212 = arith.extui %lt3A_211 : i1 to i32
    %cond3A_213 = arith.constant 0 : i32
    %cond3A_214 = arith.cmpi ne, %convert_element_type3A_212, %cond3A_213 : i32
    scf.if %cond3A_214 {
      %mul3A_250 = arith.constant 8 : i32
      %mul3A_251 = arith.muli %add3A_209, %mul3A_250 : i32
      %multiple_of3A = tpu.assume_multiple %mul3A_251, 8 : i32
      %dma_start3A = arith.constant 1 : i32
      %dma_start3A_252 = arith.constant 0 : i32
      %dma_start3A_253 = arith.constant 0 : i32
      %dma_start3A_254 = tpu.memref_slice %arg6[%dma_start3A, %dma_start3A_252, %dma_start3A_253] : memref<3x8x4096xf32, #tpu.memory_space<vmem>> -> memref<1x8x4096xf32, #tpu.memory_space<vmem>>
      %dma_start3A_255 = tpu.memref_squeeze %dma_start3A_254 : memref<1x8x4096xf32, #tpu.memory_space<vmem>> -> memref<8x4096xf32, #tpu.memory_space<vmem>>
      %dma_start3A_256 = arith.constant 0 : i32
      %dma_start3A_257 = tpu.memref_slice %arg4[%multiple_of3A, %dma_start3A_256] : memref<2080x4096xf32, #tpu.memory_space<hbm>> -> memref<8x4096xf32, #tpu.memory_space<hbm>>
      %dma_start3A_258 = arith.constant 0 : i32
      %dma_start3A_259 = tpu.memref_slice %arg4[%multiple_of3A, %dma_start3A_258] : memref<2080x4096xf32, #tpu.memory_space<hbm>> -> memref<8x4096xf32, #tpu.memory_space<hbm>>
      %dma_start3A_260 = arith.constant 0 : i32
      %dma_start3A_261 = arith.constant 0 : i32
      %dma_start3A_262 = tpu.memref_slice %arg6[%dma_start3A, %dma_start3A_260, %dma_start3A_261] : memref<3x8x4096xf32, #tpu.memory_space<vmem>> -> memref<1x8x4096xf32, #tpu.memory_space<vmem>>
      %dma_start3A_263 = tpu.memref_squeeze %dma_start3A_262 : memref<1x8x4096xf32, #tpu.memory_space<vmem>> -> memref<8x4096xf32, #tpu.memory_space<vmem>>
      tpu.enqueue_dma source(%dma_start3A_263 : memref<8x4096xf32, #tpu.memory_space<vmem>>) target(%dma_start3A_259 : memref<8x4096xf32, #tpu.memory_space<hbm>>) target_semaphore(%arg11 : memref<!tpu.dma_semaphore, #tpu.memory_space<semaphore_mem>>)
    } else {
    }
    %add3A_215 = arith.constant 256 : i32
    %add3A_216 = arith.addi %add3A, %add3A_215 : i32
    %lt3A_217 = arith.constant 260 : i32
    %lt3A_218 = arith.cmpi slt, %add3A_216, %lt3A_217 : i32
    %convert_element_type3A_219 = arith.extui %lt3A_218 : i1 to i32
    %cond3A_220 = arith.constant 0 : i32
    %cond3A_221 = arith.cmpi ne, %convert_element_type3A_219, %cond3A_220 : i32
    scf.if %cond3A_221 {
      %mul3A_250 = arith.constant 8 : i32
      %mul3A_251 = arith.muli %add3A_216, %mul3A_250 : i32
      %multiple_of3A = tpu.assume_multiple %mul3A_251, 8 : i32
      %dma_wait3A = arith.constant 2 : i32
      %dma_wait3A_252 = arith.constant 0 : i32
      %dma_wait3A_253 = arith.constant 0 : i32
      %dma_wait3A_254 = tpu.memref_slice %arg6[%dma_wait3A, %dma_wait3A_252, %dma_wait3A_253] : memref<3x8x4096xf32, #tpu.memory_space<vmem>> -> memref<1x8x4096xf32, #tpu.memory_space<vmem>>
      %dma_wait3A_255 = tpu.memref_squeeze %dma_wait3A_254 : memref<1x8x4096xf32, #tpu.memory_space<vmem>> -> memref<8x4096xf32, #tpu.memory_space<vmem>>
      %dma_wait3A_256 = tpu.memref_slice %arg5[%multiple_of3A] : memref<2080xi32, #tpu.memory_space<vmem>> -> memref<8xi32, #tpu.memory_space<vmem>>
      %dma_wait3A_257 = arith.constant 0 : i32
      %dma_wait3A_258 = arith.constant 0 : i32
      %dma_wait3A_259 = tpu.memref_slice %arg2[%dma_wait3A_257, %dma_wait3A_258] : memref<4096x4096xf32, #tpu.memory_space<hbm>> -> memref<4096x4096xf32, #tpu.memory_space<hbm>>
      tpu.wait_indirect_dma semaphore(%arg9 : memref<!tpu.dma_semaphore, #tpu.memory_space<semaphore_mem>>) src(%dma_wait3A_259 : memref<4096x4096xf32, #tpu.memory_space<hbm>>) dst(%dma_wait3A_255 : memref<8x4096xf32, #tpu.memory_space<vmem>>)
    } else {
    }
    %add3A_222 = arith.constant 256 : i32
    %add3A_223 = arith.addi %add3A, %add3A_222 : i32
    %lt3A_224 = arith.constant 260 : i32
    %lt3A_225 = arith.cmpi slt, %add3A_223, %lt3A_224 : i32
    %convert_element_type3A_226 = arith.extui %lt3A_225 : i1 to i32
    %cond3A_227 = arith.constant 0 : i32
    %cond3A_228 = arith.cmpi ne, %convert_element_type3A_226, %cond3A_227 : i32
    scf.if %cond3A_228 {
      %mul3A_250 = arith.constant 8 : i32
      %mul3A_251 = arith.muli %add3A_223, %mul3A_250 : i32
      %multiple_of3A = tpu.assume_multiple %mul3A_251, 8 : i32
      %dma_start3A = arith.constant 2 : i32
      %dma_start3A_252 = arith.constant 0 : i32
      %dma_start3A_253 = arith.constant 0 : i32
      %dma_start3A_254 = tpu.memref_slice %arg6[%dma_start3A, %dma_start3A_252, %dma_start3A_253] : memref<3x8x4096xf32, #tpu.memory_space<vmem>> -> memref<1x8x4096xf32, #tpu.memory_space<vmem>>
      %dma_start3A_255 = tpu.memref_squeeze %dma_start3A_254 : memref<1x8x4096xf32, #tpu.memory_space<vmem>> -> memref<8x4096xf32, #tpu.memory_space<vmem>>
      %dma_start3A_256 = arith.constant 0 : i32
      %dma_start3A_257 = tpu.memref_slice %arg4[%multiple_of3A, %dma_start3A_256] : memref<2080x4096xf32, #tpu.memory_space<hbm>> -> memref<8x4096xf32, #tpu.memory_space<hbm>>
      %dma_start3A_258 = arith.constant 0 : i32
      %dma_start3A_259 = tpu.memref_slice %arg4[%multiple_of3A, %dma_start3A_258] : memref<2080x4096xf32, #tpu.memory_space<hbm>> -> memref<8x4096xf32, #tpu.memory_space<hbm>>
      %dma_start3A_260 = arith.constant 0 : i32
      %dma_start3A_261 = arith.constant 0 : i32
      %dma_start3A_262 = tpu.memref_slice %arg6[%dma_start3A, %dma_start3A_260, %dma_start3A_261] : memref<3x8x4096xf32, #tpu.memory_space<vmem>> -> memref<1x8x4096xf32, #tpu.memory_space<vmem>>
      %dma_start3A_263 = tpu.memref_squeeze %dma_start3A_262 : memref<1x8x4096xf32, #tpu.memory_space<vmem>> -> memref<8x4096xf32, #tpu.memory_space<vmem>>
      tpu.enqueue_dma source(%dma_start3A_263 : memref<8x4096xf32, #tpu.memory_space<vmem>>) target(%dma_start3A_259 : memref<8x4096xf32, #tpu.memory_space<hbm>>) target_semaphore(%arg12 : memref<!tpu.dma_semaphore, #tpu.memory_space<semaphore_mem>>)
    } else {
    }
    %add3A_229 = arith.constant 192 : i32
    %add3A_230 = arith.addi %add3A, %add3A_229 : i32
    %lt3A_231 = arith.constant 260 : i32
    %lt3A_232 = arith.cmpi slt, %add3A_230, %lt3A_231 : i32
    %convert_element_type3A_233 = arith.extui %lt3A_232 : i1 to i32
    %cond3A_234 = arith.constant 0 : i32
    %cond3A_235 = arith.cmpi ne, %convert_element_type3A_233, %cond3A_234 : i32
    scf.if %cond3A_235 {
      %mul3A_250 = arith.constant 8 : i32
      %mul3A_251 = arith.muli %add3A_230, %mul3A_250 : i32
      %multiple_of3A = tpu.assume_multiple %mul3A_251, 8 : i32
      %dma_wait3A = arith.constant 0 : i32
      %dma_wait3A_252 = arith.constant 0 : i32
      %dma_wait3A_253 = arith.constant 0 : i32
      %dma_wait3A_254 = tpu.memref_slice %arg6[%dma_wait3A, %dma_wait3A_252, %dma_wait3A_253] : memref<3x8x4096xf32, #tpu.memory_space<vmem>> -> memref<1x8x4096xf32, #tpu.memory_space<vmem>>
      %dma_wait3A_255 = tpu.memref_squeeze %dma_wait3A_254 : memref<1x8x4096xf32, #tpu.memory_space<vmem>> -> memref<8x4096xf32, #tpu.memory_space<vmem>>
      %dma_wait3A_256 = arith.constant 0 : i32
      %dma_wait3A_257 = tpu.memref_slice %arg4[%multiple_of3A, %dma_wait3A_256] : memref<2080x4096xf32, #tpu.memory_space<hbm>> -> memref<8x4096xf32, #tpu.memory_space<hbm>>
      %dma_wait3A_258 = arith.constant 0 : i32
      %dma_wait3A_259 = tpu.memref_slice %arg4[%multiple_of3A, %dma_wait3A_258] : memref<2080x4096xf32, #tpu.memory_space<hbm>> -> memref<8x4096xf32, #tpu.memory_space<hbm>>
      %dma_wait3A_260 = arith.constant 0 : i32
      %dma_wait3A_261 = arith.constant 0 : i32
      %dma_wait3A_262 = tpu.memref_slice %arg6[%dma_wait3A, %dma_wait3A_260, %dma_wait3A_261] : memref<3x8x4096xf32, #tpu.memory_space<vmem>> -> memref<1x8x4096xf32, #tpu.memory_space<vmem>>
      %dma_wait3A_263 = tpu.memref_squeeze %dma_wait3A_262 : memref<1x8x4096xf32, #tpu.memory_space<vmem>> -> memref<8x4096xf32, #tpu.memory_space<vmem>>
      tpu.wait_dma2 semaphore(%arg10 : memref<!tpu.dma_semaphore, #tpu.memory_space<semaphore_mem>>) src(%dma_wait3A_263 : memref<8x4096xf32, #tpu.memory_space<vmem>>) dst(%dma_wait3A_259 : memref<8x4096xf32, #tpu.memory_space<hbm>>)
    } else {
    }
    %add3A_236 = arith.constant 224 : i32
    %add3A_237 = arith.addi %add3A, %add3A_236 : i32
    %lt3A_238 = arith.constant 260 : i32
    %lt3A_239 = arith.cmpi slt, %add3A_237, %lt3A_238 : i32
    %convert_element_type3A_240 = arith.extui %lt3A_239 : i1 to i32
    %cond3A_241 = arith.constant 0 : i32
    %cond3A_242 = arith.cmpi ne, %convert_element_type3A_240, %cond3A_241 : i32
    scf.if %cond3A_242 {
      %mul3A_250 = arith.constant 8 : i32
      %mul3A_251 = arith.muli %add3A_237, %mul3A_250 : i32
      %multiple_of3A = tpu.assume_multiple %mul3A_251, 8 : i32
      %dma_wait3A = arith.constant 1 : i32
      %dma_wait3A_252 = arith.constant 0 : i32
      %dma_wait3A_253 = arith.constant 0 : i32
      %dma_wait3A_254 = tpu.memref_slice %arg6[%dma_wait3A, %dma_wait3A_252, %dma_wait3A_253] : memref<3x8x4096xf32, #tpu.memory_space<vmem>> -> memref<1x8x4096xf32, #tpu.memory_space<vmem>>
      %dma_wait3A_255 = tpu.memref_squeeze %dma_wait3A_254 : memref<1x8x4096xf32, #tpu.memory_space<vmem>> -> memref<8x4096xf32, #tpu.memory_space<vmem>>
      %dma_wait3A_256 = arith.constant 0 : i32
      %dma_wait3A_257 = tpu.memref_slice %arg4[%multiple_of3A, %dma_wait3A_256] : memref<2080x4096xf32, #tpu.memory_space<hbm>> -> memref<8x4096xf32, #tpu.memory_space<hbm>>
      %dma_wait3A_258 = arith.constant 0 : i32
      %dma_wait3A_259 = tpu.memref_slice %arg4[%multiple_of3A, %dma_wait3A_258] : memref<2080x4096xf32, #tpu.memory_space<hbm>> -> memref<8x4096xf32, #tpu.memory_space<hbm>>
      %dma_wait3A_260 = arith.constant 0 : i32
      %dma_wait3A_261 = arith.constant 0 : i32
      %dma_wait3A_262 = tpu.memref_slice %arg6[%dma_wait3A, %dma_wait3A_260, %dma_wait3A_261] : memref<3x8x4096xf32, #tpu.memory_space<vmem>> -> memref<1x8x4096xf32, #tpu.memory_space<vmem>>
      %dma_wait3A_263 = tpu.memref_squeeze %dma_wait3A_262 : memref<1x8x4096xf32, #tpu.memory_space<vmem>> -> memref<8x4096xf32, #tpu.memory_space<vmem>>
      tpu.wait_dma2 semaphore(%arg11 : memref<!tpu.dma_semaphore, #tpu.memory_space<semaphore_mem>>) src(%dma_wait3A_263 : memref<8x4096xf32, #tpu.memory_space<vmem>>) dst(%dma_wait3A_259 : memref<8x4096xf32, #tpu.memory_space<hbm>>)
    } else {
    }
    %add3A_243 = arith.constant 256 : i32
    %add3A_244 = arith.addi %add3A, %add3A_243 : i32
    %lt3A_245 = arith.constant 260 : i32
    %lt3A_246 = arith.cmpi slt, %add3A_244, %lt3A_245 : i32
    %convert_element_type3A_247 = arith.extui %lt3A_246 : i1 to i32
    %cond3A_248 = arith.constant 0 : i32
    %cond3A_249 = arith.cmpi ne, %convert_element_type3A_247, %cond3A_248 : i32
    scf.if %cond3A_249 {
      %mul3A_250 = arith.constant 8 : i32
      %mul3A_251 = arith.muli %add3A_244, %mul3A_250 : i32
      %multiple_of3A = tpu.assume_multiple %mul3A_251, 8 : i32
      %dma_wait3A = arith.constant 2 : i32
      %dma_wait3A_252 = arith.constant 0 : i32
      %dma_wait3A_253 = arith.constant 0 : i32
      %dma_wait3A_254 = tpu.memref_slice %arg6[%dma_wait3A, %dma_wait3A_252, %dma_wait3A_253] : memref<3x8x4096xf32, #tpu.memory_space<vmem>> -> memref<1x8x4096xf32, #tpu.memory_space<vmem>>
      %dma_wait3A_255 = tpu.memref_squeeze %dma_wait3A_254 : memref<1x8x4096xf32, #tpu.memory_space<vmem>> -> memref<8x4096xf32, #tpu.memory_space<vmem>>
      %dma_wait3A_256 = arith.constant 0 : i32
      %dma_wait3A_257 = tpu.memref_slice %arg4[%multiple_of3A, %dma_wait3A_256] : memref<2080x4096xf32, #tpu.memory_space<hbm>> -> memref<8x4096xf32, #tpu.memory_space<hbm>>
      %dma_wait3A_258 = arith.constant 0 : i32
      %dma_wait3A_259 = tpu.memref_slice %arg4[%multiple_of3A, %dma_wait3A_258] : memref<2080x4096xf32, #tpu.memory_space<hbm>> -> memref<8x4096xf32, #tpu.memory_space<hbm>>
      %dma_wait3A_260 = arith.constant 0 : i32
      %dma_wait3A_261 = arith.constant 0 : i32
      %dma_wait3A_262 = tpu.memref_slice %arg6[%dma_wait3A, %dma_wait3A_260, %dma_wait3A_261] : memref<3x8x4096xf32, #tpu.memory_space<vmem>> -> memref<1x8x4096xf32, #tpu.memory_space<vmem>>
      %dma_wait3A_263 = tpu.memref_squeeze %dma_wait3A_262 : memref<1x8x4096xf32, #tpu.memory_space<vmem>> -> memref<8x4096xf32, #tpu.memory_space<vmem>>
      tpu.wait_dma2 semaphore(%arg12 : memref<!tpu.dma_semaphore, #tpu.memory_space<semaphore_mem>>) src(%dma_wait3A_263 : memref<8x4096xf32, #tpu.memory_space<vmem>>) dst(%dma_wait3A_259 : memref<8x4096xf32, #tpu.memory_space<hbm>>)
    } else {
    }
    return
  }
}

</mosaic_0001>

<sc_bundles>
// kernel: kernel.3.cloned.1.call-start
scs
__scs_entry_jumppad:
0x0: {  	(pc) =	sbr.rel $0x88, $3  }
0x1: {  	(tag) =	ssettag $0x0;
	lr =	simm.s32 $0x1  }
0x2: {  	[smem:$0x3FA0] =	sst lr;
	_ =	strace $0xD0000000  }
0x3: {  	_ = 	snop  }
0x4: {  	_ = 	snop  }
0x5: {  	_ = 	snop  }
0x6: {  	_ = 	snop  }
0x7: {  	_ = 	snop  }
__scs_overlays_trampoline_lowered:
0x8: {  	[smem:$0x3FAF] =	sst s0  }
0x9: {  	[smem:$0x3FB0] =	sst s1  }
0xa: {  	[smem:$0x3FB1] =	sst s2  }
0xb: {  	[smem:$0x3FB2] =	sst s3  }
0xc: {  	[smem:$0x3FB3] =	sst s4  }
0xd: {  	[smem:$0x3FB4] =	sst s5  }
0xe: {  	[smem:$0x3FB5] =	sst s6  }
0xf: {  	[smem:$0x3FB6] =	sst s7  }
0x10: {  	[smem:$0x3FB7] =	sst s8  }
0x11: {  	[smem:$0x3FB8] =	sst s9;
	s0 =	simm.s32 @!p0 $0x0  }
0x12: {  	s1 =	sld [smem:$0x3F9E];
	s0 =	simm.s32 @p0 $0x1  }
0x13: {  	[smem:$0x3FB9] =	sst s0;
	s0 =	simm.s32 @!p1 $0x0  }
0x14: {  	s2 =	sld [smem:$0x3F9D];
	s0 =	simm.s32 @p1 $0x1  }
0x15: {  	[smem:$0x3FBA] =	sst s0;
	s0 =	simm.s32 @!p2 $0x0  }
0x16: {  	s3 =	sld [smem:$0x3FDB];
	s0 =	simm.s32 @p2 $0x1  }
0x17: {  	s4 =	simm.s32 $0x1BF5;
	[smem:$0x3FBC] =	sst s0  }
0x18: {  	s0 =	sld [smem:$0x3F9F];
	_ =	swait.ge [sflag:s4], $0x0  }
0x19: {  	s7 =	sld [smem:$0x3FA0]  }
0x1a: {  	s8 =	sadd.s32 $0xFFFFE003, lr  }
0x1b: {  	s9 =	sadd.s32 $0xFFFFFEF7, lr;
	s5 =	simm.s32 $0xFFFFFFFF;
	p2 =	slt.u32 s8, $0xFFFFF086  }
0x1c: {  	p1 =	slt.u32 s9, $0xF7A;
	s5 =	simm.s32 @!p2 $0x0  }
0x1d: {  	s5 =	simm.s32 @p1 $0x1;
	p0 =	seq.s32 s7, s2  }
0x1e: {  	s7 =	smul.u32 @!p0 $0xF7A, s2;
	p2 =	seq.s32 @!p0 s5, $0x0  }
0x1f: {  	s9 =	smul.u32 $0xF7A, s1;
	s8 =	simm.s32 @!p0 $0x1BF5;
	p2 =	por !p2, p0  }
0x20: {  	[sflag:s8] =	ssyncset.s32 @!p0 $0xFFFFF086;
	s6 =	sadd.s32 @!p0 s3, s7;
	s7 =	simm.s32 @!p0 $0x108  }
0x21: {  	s3 =	sadd.s32 s3, s9;
	s6 =	sadd.s32 @!p0 $0x88, s6;
	s7 =	simm.s32 @p2 $0x1082  }
0x22: {  	[simem:s7], [sflag:s8] =	dma.local @!p0 [hbm:s6], $0xF7A  }
0x23: {  	s9 =	sor.u32 $0xD0000000, s2;
	s6 =	simm.s32 $0x108;
	_ =	swait.ge @!p0 [sflag:s8], $0x0  }
0x24: {  	s3 =	sadd.s32 $0x88, s3;
	s6 =	simm.s32 @!p1 $0x1082;
	[sflag:s4] =	ssyncset.s32 $0xFFFFF086  }
0x25: {  	[simem:s6], [sflag:s4] =	dma.local [hbm:s3], $0xF7A  }
0x26: {  	[smem:$0x3FA0] =	sst s1;
	(tag) =	ssettag s2;
	_ =	strace s9  }
0x27: {  	s1 =	sld [smem:$0x3FB0]  }
0x28: {  	s2 =	sld [smem:$0x3FB1]  }
0x29: {  	s4 =	sld [smem:$0x3FB3]  }
0x2a: {  	p0 =	seq.s32 s5, $0x0;
	s5 =	sld [smem:$0x3FB4]  }
0x2b: {  	s6 =	sld [smem:$0x3FB5]  }
0x2c: {  	s7 =	sld [smem:$0x3FB6]  }
0x2d: {  	s3 =	simm.s32 $0x108;
	s8 =	sld [smem:$0x3FB7]  }
0x2e: {  	s3 =	simm.s32 @!p0 $0x1082;
	s9 =	sld [smem:$0x3FB8]  }
0x2f: {  	lr =	sadd.s32 s0, s3;
	s0 =	sld [smem:$0x3FAF]  }
0x30: {  	s3 =	sld [smem:$0x3FB2]  }
0x31: {  	[smem:$0x3FBB] =	sst s10  }
0x32: {  	s10 =	sld [smem:$0x3FB9];
	_ =	sdelay $0x3  }
0x33: {  	p0 =	seq.s32 s10, $0x1;
	s10 =	sld [smem:$0x3FBB];
	_ =	sdelay $0x3  }
0x34: {  	[smem:$0x3FBB] =	sst s10  }
0x35: {  	s10 =	sld [smem:$0x3FBA];
	_ =	sdelay $0x3  }
0x36: {  	p1 =	seq.s32 s10, $0x1;
	s10 =	sld [smem:$0x3FBB];
	_ =	sdelay $0x3  }
0x37: {  	[smem:$0x3FBB] =	sst s10  }
0x38: {  	s10 =	sld [smem:$0x3FBC]  }
0x39: {  	_ = 	snop;
	(pc) =	sbr.ind lr, $3  }
0x3a: {  	_ = 	snop  }
0x3b: {  	_ = 	snop  }
0x3c: {  	p2 =	seq.s32 s10, $0x1;
	s10 =	sld [smem:$0x3FBB]  }
0x3d: {  	_ =	shalt  }
0x3e: {  	_ =	shalt  }
0x3f: {  	_ =	shalt  }
0x40: {  	_ =	shalt  }
0x41: {  	_ =	shalt  }
0x42: {  	_ =	shalt  }
0x43: {  	_ =	shalt  }
0x44: {  	_ =	shalt  }
0x45: {  	_ =	shalt  }
0x46: {  	_ =	shalt  }
0x47: {  	_ =	shalt  }
0x48: {  	_ =	shalt  }
0x49: {  	_ =	shalt  }
0x4a: {  	_ =	shalt  }
0x4b: {  	_ =	shalt  }
0x4c: {  	_ =	shalt  }
0x4d: {  	_ =	shalt  }
0x4e: {  	_ =	shalt  }
0x4f: {  	_ =	shalt  }
0x50: {  	_ =	shalt  }
0x51: {  	_ =	shalt  }
0x52: {  	_ =	shalt  }
0x53: {  	_ =	shalt  }
0x54: {  	_ =	shalt  }
0x55: {  	_ =	shalt  }
0x56: {  	_ =	shalt  }
0x57: {  	_ =	shalt  }
0x58: {  	_ =	shalt  }
0x59: {  	_ =	shalt  }
0x5a: {  	_ =	shalt  }
0x5b: {  	_ =	shalt  }
0x5c: {  	_ =	shalt  }
0x5d: {  	_ =	shalt  }
0x5e: {  	_ =	shalt  }
0x5f: {  	_ =	shalt  }
0x60: {  	_ =	shalt  }
0x61: {  	_ =	shalt  }
0x62: {  	_ =	shalt  }
0x63: {  	_ =	shalt  }
0x64: {  	_ =	shalt  }
0x65: {  	_ =	shalt  }
0x66: {  	_ =	shalt  }
0x67: {  	_ =	shalt  }
0x68: {  	_ =	shalt  }
0x69: {  	_ =	shalt  }
0x6a: {  	_ =	shalt  }
0x6b: {  	_ =	shalt  }
0x6c: {  	_ =	shalt  }
0x6d: {  	_ =	shalt  }
0x6e: {  	_ =	shalt  }
0x6f: {  	_ =	shalt  }
0x70: {  	_ =	shalt  }
0x71: {  	_ =	shalt  }
0x72: {  	_ =	shalt  }
0x73: {  	_ =	shalt  }
0x74: {  	_ =	shalt  }
0x75: {  	_ =	shalt  }
0x76: {  	_ =	shalt  }
0x77: {  	_ =	shalt  }
0x78: {  	_ =	shalt  }
0x79: {  	_ =	shalt  }
0x7a: {  	_ =	shalt  }
0x7b: {  	_ =	shalt  }
0x7c: {  	_ =	shalt  }
0x7d: {  	_ =	shalt  }
0x7e: {  	_ =	shalt  }
0x7f: {  	_ =	shalt  }
0x80: {  	_ =	shalt  }
0x81: {  	_ =	shalt  }
0x82: {  	_ =	shalt  }
0x83: {  	_ =	shalt  }
0x84: {  	_ =	shalt  }
0x85: {  	_ =	shalt  }
0x86: {  	_ =	shalt  }
0x87: {  	_ =	shalt  }
.Lfunc_end0:
.L_simem_size_0:
called_computation_lowered:
.L_overlay_start_0:
0x88: {  	s2 =	sld [smem:$0x3FD9]  }
0x89: {  	s3 =	sld [smem:$0x3FFE];
	_ =	sdelay $0x1  }
0x8a: {  	s1 =	srdreg.scid  }
0x8b: {  	s0 =	sand.u32 $0x1, s1  }
0x8c: {  	s17 =	sshll.u32 s0, $0xA;
	s2 =	sadd.s32 s3, s2  }
0x8d: {  	s2 =	sadd.s32 s2, s17  }
0x8e: {  	[smem:$0x3FC7] =	sst s2  }
0x8f: {  	_ = 	snop  }
0x90: {  	s2 =	sld [smem:$0x3FC9]  }
0x91: {  	s18 =	sld [smem:$0x3FD0];
	(tm) =	ssettm $0x1  }
0x92: {  	s4 =	sld [smem:$0x3FFB];
	_ =	sdelay $0x3  }
0x93: {  	_ =	strace s4  }
0x94: {  	s4 =	sld [smem:$0x3FFC];
	_ =	sdelay $0x3  }
0x95: {  	_ =	strace s4  }
0x96: {  	s4 =	sld [smem:$0x3FFD];
	_ =	sdelay $0x3  }
0x97: {  	_ =	strace s4  }
0x98: {  	_ =	strace $0x8FFFFFFF  }
0x99: {  	s19 =	sld [smem:$0x3FDB];
	_ =	sdelay $0x1  }
0x9a: {  	s5 =	simm.s32 $_scs_section_size  }
0x9b: {  	s6 =	simm.s32 $_size__tile_overlayer_lowered;
	s7 =	simm.s32 $_tile_overlayer_lowered  }
0x9c: {  	s22 =	simm.s32 $0x1BFF;
	s21 =	sshll.u32 s7, $0x1;
	s4 =	sadd.s32 s5, s19  }
0x9d: {  	s8 =	simm.s32 $0x0;
	s20 =	sshll.u32 s6, $0x1;
	s6 =	sadd.s32 s21, s4  }
0x9e: {  	[timem:s8], [sflag:s22] =	dma.local [hbm:s6], s20  }
0x9f: {  	_ =	swait.ge [sflag:s22], s20  }
0xa0: {  	s5 =	ssub.s32 $0x0, s20;
	[sflag:s22] =	ssyncset.done $0x0  }
0xa1: {  	[sflag:s22] =	ssyncadd.s32 s5;
	_ =	sdelay $0x1  }
0xa2: {  	s23 =	simm.s32 $0x1B8B  }
0xa3: {  	_ =	swait.ge [sflag:s23], $0x1  }
0xa4: {  	[sflag:s23] =	ssyncset.done $0x0  }
0xa5: {  	s25 =	simm.s32 $0x1B8E;
	s24 =	sld [smem:$0x3FFE];
	[sflag:s23] =	ssyncadd.s32 $0xFFFFFFFF  }
0xa6: {  	s26 =	simm.s32 $execute0_lowered;
	[smem:$0x3FD2] =	sst s25  }
0xa7: {  	s6 =	sshll.u32 s26, $0x1;
	_ =	strace $0x80000046;
	[dreg:$0x1] =	wrdreg $0xFFFFFFFF  }
0xa8: {  	s28 =	simm.s32 $_size_execute0_lowered;
	s4 =	sadd.s32 s4, s6;
	[dreg:$0x0] =	wrdreg $0x0  }
0xa9: {  	s6 =	sshll.u32 s28, $0x1;
	[dreg:$0x2] =	wrdreg s4  }
0xaa: {  	[dreg:$0x3] =	wrdreg s6  }
0xab: {  	[dreg:$0x4] =	wrdreg $0xC0  }
0xac: {  	_ =	task [dreg:s8], $0x5FFFF  }
0xad: {  	[dreg:$0x1] =	wrdreg $0xFFFFFFFF  }
0xae: {  	[dreg:$0x0] =	wrdreg $0x60  }
0xaf: {  	[dreg:$0x2] =	wrdreg s2  }
0xb0: {  	[dreg:$0x3] =	wrdreg s24  }
0xb1: {  	[dreg:$0x4] =	wrdreg s18  }
0xb2: {  	[dreg:$0x5] =	wrdreg $0x9  }
0xb3: {  	_ =	task.clear_ibuf [dreg:s8], $0x6FFFF;
	_ =	strace $0x90000046  }
0xb4: {  	s29 =	simm.s32 $0x9;
	_ =	strace $0x80000048  }
0xb5: {  	_ =	swait.ge [sflag:s29], $0x1  }
0xb6: {  	[sflag:s29] =	ssyncadd.s32 $0xFFFFFFFF  }
0xb7: {  	_ =	strace $0x90000048  }
0xb8: {  	_ =	sfence  }
0xb9: {  	s30 =	sld [smem:$0x0];
	_ =	sdelay $0x2  }
0xba: {  	s31 =	sshll.u32 s1, $0xD;
	s1 =	sshrl.u32 s1, $0x2  }
0xbb: {  	s3 =	sand.u32 $0x4000, s31;
	s1 =	sadd.s32 s1, s30  }
0xbc: {  	s0 =	sor.u32 s3, s0;
	s1 =	sshll.u32 s1, $0x11  }
0xbd: {  	s0 =	sor.u32 s1, s0  }
0xbe: {  	s0 =	sadd.s32 $0x8F2B, s0  }
0xbf: {  	[sflag:s0] =	ssyncadd.remote.s32 $0x1  }
0xc0: {  	_ =	sfence.sel $0xFFFF  }
0xc1: {  	[dreg:$0x0] =	wrdreg $0xFFFFFFFF;
	(pc) =	sbr.abs _section_cstart, $3  }
0xc2: {  	[dreg:$0x1] =	wrdreg $0xFFFFFFFF  }
0xc3: {  	_ =	task.clear_ibuf [dreg:s8], $0x2FFFF;
	_ =	strace $0x9FFFFFFF  }
0xc4: {  	(tm) =	ssettm $0x7FFFFFFF  }
0xc5: {  	_ =	shalt  }
tec
execute0_lowered:
.L_overlay_start_1:
0x0: {  	(tag) =	ssettag $0x1  }
0x1: {  	s1 =	rddreg [dreg:$0x0]  }
0x2: {  	s2 =	rddreg [dreg:$0x1]  }
0x3: {  	s0 =	rddreg [dreg:$0x2];
	s3 =	simm.s32 $0x0;
	s4 =	srdreg.scid  }
0x4: {  	s22 =	stileid.u32;
	s29 =	simm.s32 $0x14880;
	s30 =	simm.s32 $0x15080  }
0x5: {  	[smem:$0x7FF] =	sst s3;
	s4 =	sand.u32 $0x1, s4;
	s6 =	sshll.u32 s22, $0x1  }
0x6: {  	s2 =	sadd.s32 $0x400, s2;
	s8 =	sadd.s32 $0x500, s1;
	s9 =	sadd.s32 $0x600, s1  }
0x7: {  	s10 =	sadd.s32 $0x700, s1;
	s11 =	sadd.s32 $0x800, s1;
	s12 =	sadd.s32 $0x900, s1  }
0x8: {  	s13 =	sadd.s32 $0xA00, s1;
	s14 =	sadd.s32 $0xB00, s1;
	s15 =	sadd.s32 $0xC00, s1  }
0x9: {  	s16 =	sadd.s32 $0xD00, s1;
	s17 =	sadd.s32 $0xE00, s1;
	p0 =	sgt.u32 s22, $0x1  }
0xa: {  	s22 =	simm.s32 $0x4;
	_ =	strace $0x80000047;
	s5 =	ssub.s32 $0x2, s4  }
0xb: {  	s18 =	sor.u32 s4, s6;
	[dreg:$0x4] =	wrdreg s2;
	s6 =	sadd.s32 $0x300, s1  }
0xc: {  	s7 =	sshrl.u32 s5, $0x1;
	s4 =	sshll.u32 s18, $0x3;
	s19 =	sor.u32 $0x20, s18  }
0xd: {  	s21 =	sshll.u32 s18, $0xC;
	s26 =	sor.u32 $0x40, s18;
	s23 =	sor.u32 $0x60, s18  }
0xe: {  	s2 =	ssub.s32 s5, s7;
	[dreg:$0x5] =	wrdreg s4;
	s4 =	sadd.s32 $0x100, s1  }
0xf: {  	s5 =	sadd.s32 $0x200, s1;
	s7 =	sadd.s32 $0x400, s1;
	s20 =	sshll.u32 s19, $0x3  }
0x10: {  	s25 =	sadd.s32 s0, s21;
	s31 =	sshll.u32 s26, $0x3;
	[dreg:$0x6] =	wrdreg s20  }
0x11: {  	s19 =	sshll.u32 s19, $0xC;
	s24 =	sshll.u32 s23, $0x3;
	[dreg:$0x7] =	wrdreg s25  }
0x12: {  	s21 =	sshll.u32 s26, $0xC;
	s26 =	sor.u32 $0x80, s18;
	[dreg:$0x8] =	wrdreg s31  }
0x13: {  	s19 =	sadd.s32 s0, s19;
	[dreg:$0xa] =	wrdreg s24;
	s25 =	sadd.s32 s0, s21  }
0x14: {  	s31 =	sshll.u32 s26, $0x3;
	s20 =	sshll.u32 s23, $0xC;
	[dreg:$0x9] =	wrdreg s19  }
0x15: {  	s23 =	sor.u32 $0xA0, s18;
	s21 =	sshll.u32 s26, $0xC;
	[dreg:$0xb] =	wrdreg s25  }
0x16: {  	s26 =	sor.u32 $0xC0, s18;
	[dreg:$0xc] =	wrdreg s31;
	s20 =	sadd.s32 s0, s20  }
0x17: {  	s28 =	smax.u32 s2, $0x1;
	s24 =	sshll.u32 s23, $0x3;
	[dreg:$0xd] =	wrdreg s20  }
0x18: {  	s25 =	sadd.s32 s0, s21;
	s31 =	sshll.u32 s26, $0x3;
	[dreg:$0xe] =	wrdreg s24  }
0x19: {  	s21 =	sshll.u32 s26, $0xC;
	[dreg:$0xf] =	wrdreg s25;
	s20 =	sshll.u32 s23, $0xC  }
0x1a: {  	[dreg:$0x10] =	wrdreg s31;
	s23 =	sor.u32 $0xE0, s18;
	s25 =	sadd.s32 s0, s21  }
0x1b: {  	s18 =	sor.u32 $0x100, s18;
	s20 =	sadd.s32 s0, s20;
	[dreg:$0x13] =	wrdreg s25  }
0x1c: {  	s21 =	simm.s32 $0x2;
	s24 =	sshll.u32 s23, $0x3;
	[dreg:$0x11] =	wrdreg s20  }
0x1d: {  	s26 =	sshll.u32 s18, $0x3;
	s18 =	sshll.u32 s18, $0xC;
	[dreg:$0x12] =	wrdreg s24  }
0x1e: {  	v1 =	vlaneseq.u32;
	s20 =	sshll.u32 s23, $0xC;
	[dreg:$0x14] =	wrdreg s26;
	s31 =	sadd.s32 s0, s18  }
0x1f: {  	v0 =	vand.u32 $0x7, v1;
	v1 =	vshrl.u32 v1, $0x3;
	s18 =	sadd.s32 $0xF00, s1;
	s0 =	sadd.s32 s0, s20;
	[dreg:$0x15] =	wrdreg s31  }
0x20: {  	vm0 =	vmmov $0xffff;
	v1 =	vmul.u32 $0x8, v1;
	vm1 =	vmmov @!p0 $0xffff;
	s24 =	simm.s32 $0x880;
	s20 =	simm.s32 $0x1;
	[dreg:$0x16] =	wrdreg s0  }
.LBB2_1:
0x21: {  	s31 =	rddreg [dreg:$0x4];
	s0 =	simm.s32 $0x7  }
0x22: {  	[tilespmem:s3], [sflag:$0x7] =	stream.linear.gather [hbm4b:s31+s3], $0x880, $0x38;
	[tilespmem:$0x18880] =	vst v63  }
0x23: {  	_ =	swait.ge [sflag:s0], $0x880  }
0x24: {  	[sflag:s0] =	ssyncset.done $0x0  }
0x25: {  	s25 =	rddreg [dreg:$0x5];
	[sflag:s0] =	ssyncadd.s32 $0xFFFFF780  }
0x26: {  	v2 =	vld.msk [tilespmem:s25+$0x0], $0xff;
	_ =	sdelay $0x4  }
0x27: {  	v3 =	vshll.u32 v2, $0x5  }
0x28: {  	v2 =	vand.u32 $0x7, v2;
	v3 =	vand.u32 $0xFFFFFF00, v3  }
0x29: {  	v2 =	vor.u32 v2, v3  }
0x2a: {  	v2 =	vperm.xlane v2, v0;
	_ =	sdelay $0x1  }
0x2b: {  	v2 =	vadd.s32 v1, v2;
	_ =	sdelay $0x3  }
0x2c: {  	s1 =	rddreg [dreg:$0x0]  }
0x2d: {  	[tilespmem:s24], [sflag:$0x1] =	stream.indirect_vreg.gather [hbm4b:s1+s3], $0x80, v2, vm0, $0xb8;
	[tilespmem:$0x18880] =	vst v63  }
0x2e: {  	s26 =	simm.s32 $0x1080  }
0x2f: {  	[tilespmem:s26], [sflag:$0x1] =	stream.indirect_vreg.gather [hbm4b:s4+s3], $0x80, v2, vm0, $0xb8;
	[tilespmem:$0x18880] =	vst v63  }
0x30: {  	s31 =	simm.s32 $0x1880  }
0x31: {  	[tilespmem:s31], [sflag:$0x1] =	stream.indirect_vreg.gather [hbm4b:s5+s3], $0x80, v2, vm0, $0xb8;
	[tilespmem:$0x18880] =	vst v63  }
0x32: {  	s2 =	simm.s32 $0x2080  }
0x33: {  	[tilespmem:s2], [sflag:$0x1] =	stream.indirect_vreg.gather [hbm4b:s6+s3], $0x80, v2, vm0, $0xb8;
	[tilespmem:$0x18880] =	vst v63  }
0x34: {  	s19 =	simm.s32 $0x2880  }
0x35: {  	[tilespmem:s19], [sflag:$0x1] =	stream.indirect_vreg.gather [hbm4b:s7+s3], $0x80, v2, vm0, $0xb8;
	[tilespmem:$0x18880] =	vst v63  }
0x36: {  	s23 =	simm.s32 $0x3080  }
0x37: {  	[tilespmem:s23], [sflag:$0x1] =	stream.indirect_vreg.gather [hbm4b:s8+s3], $0x80, v2, vm0, $0xb8;
	[tilespmem:$0x18880] =	vst v63  }
0x38: {  	s25 =	simm.s32 $0x3880  }
0x39: {  	[tilespmem:s25], [sflag:$0x1] =	stream.indirect_vreg.gather [hbm4b:s9+s3], $0x80, v2, vm0, $0xb8;
	[tilespmem:$0x18880] =	vst v63  }
0x3a: {  	s26 =	simm.s32 $0x4080  }
0x3b: {  	[tilespmem:s26], [sflag:$0x1] =	stream.indirect_vreg.gather [hbm4b:s10+s3], $0x80, v2, vm0, $0xb8;
	[tilespmem:$0x18880] =	vst v63  }
0x3c: {  	s31 =	simm.s32 $0x4880  }
0x3d: {  	[tilespmem:s31], [sflag:$0x1] =	stream.indirect_vreg.gather [hbm4b:s11+s3], $0x80, v2, vm0, $0xb8;
	[tilespmem:$0x18880] =	vst v63  }
0x3e: {  	s2 =	simm.s32 $0x5080  }
0x3f: {  	[tilespmem:s2], [sflag:$0x1] =	stream.indirect_vreg.gather [hbm4b:s12+s3], $0x80, v2, vm0, $0xb8;
	[tilespmem:$0x18880] =	vst v63  }
0x40: {  	s19 =	simm.s32 $0x5880  }
0x41: {  	[tilespmem:s19], [sflag:$0x1] =	stream.indirect_vreg.gather [hbm4b:s13+s3], $0x80, v2, vm0, $0xb8;
	[tilespmem:$0x18880] =	vst v63  }
0x42: {  	s23 =	simm.s32 $0x6080  }
0x43: {  	[tilespmem:s23], [sflag:$0x1] =	stream.indirect_vreg.gather [hbm4b:s14+s3], $0x80, v2, vm0, $0xb8;
	[tilespmem:$0x18880] =	vst v63  }
0x44: {  	s25 =	simm.s32 $0x6880  }
0x45: {  	[tilespmem:s25], [sflag:$0x1] =	stream.indirect_vreg.gather [hbm4b:s15+s3], $0x80, v2, vm0, $0xb8;
	[tilespmem:$0x18880] =	vst v63  }
0x46: {  	s31 =	simm.s32 $0x7080  }
0x47: {  	[tilespmem:s31], [sflag:$0x1] =	stream.indirect_vreg.gather [hbm4b:s16+s3], $0x80, v2, vm0, $0xb8;
	[tilespmem:$0x18880] =	vst v63  }
0x48: {  	s2 =	simm.s32 $0x7880  }
0x49: {  	[tilespmem:s2], [sflag:$0x1] =	stream.indirect_vreg.gather [hbm4b:s17+s3], $0x80, v2, vm0, $0xb8;
	[tilespmem:$0x18880] =	vst v63  }
0x4a: {  	s19 =	rddreg [dreg:$0x6];
	s23 =	simm.s32 $0x8080  }
0x4b: {  	[tilespmem:s23], [sflag:$0x1] =	stream.indirect_vreg.gather [hbm4b:s18+s3], $0x80, v2, vm0, $0xb8;
	[tilespmem:$0x18880] =	vst v63  }
0x4c: {  	v2 =	vld.msk [tilespmem:s19+$0x0], $0xff;
	_ =	sdelay $0x4  }
0x4d: {  	v3 =	vshll.u32 v2, $0x5  }
0x4e: {  	v2 =	vand.u32 $0x7, v2;
	v3 =	vand.u32 $0xFFFFFF00, v3  }
0x4f: {  	v2 =	vor.u32 v2, v3  }
0x50: {  	v2 =	vperm.xlane v2, v0;
	_ =	sdelay $0x1  }
0x51: {  	v2 =	vadd.s32 v1, v2;
	_ =	sdelay $0x3  }
0x52: {  	s2 =	simm.s32 $0x8880  }
0x53: {  	[tilespmem:s2], [sflag:$0x2] =	stream.indirect_vreg.gather [hbm4b:s1+s3], $0x80, v2, vm0, $0xb8;
	[tilespmem:$0x18880] =	vst v63  }
0x54: {  	s31 =	simm.s32 $0x9080  }
0x55: {  	[tilespmem:s31], [sflag:$0x2] =	stream.indirect_vreg.gather [hbm4b:s4+s3], $0x80, v2, vm0, $0xb8;
	[tilespmem:$0x18880] =	vst v63  }
0x56: {  	s19 =	simm.s32 $0x9880  }
0x57: {  	[tilespmem:s19], [sflag:$0x2] =	stream.indirect_vreg.gather [hbm4b:s5+s3], $0x80, v2, vm0, $0xb8;
	[tilespmem:$0x18880] =	vst v63  }
0x58: {  	s31 =	simm.s32 $0xA080  }
0x59: {  	[tilespmem:s31], [sflag:$0x2] =	stream.indirect_vreg.gather [hbm4b:s6+s3], $0x80, v2, vm0, $0xb8;
	[tilespmem:$0x18880] =	vst v63  }
0x5a: {  	s19 =	simm.s32 $0xA880  }
0x5b: {  	[tilespmem:s19], [sflag:$0x2] =	stream.indirect_vreg.gather [hbm4b:s7+s3], $0x80, v2, vm0, $0xb8;
	[tilespmem:$0x18880] =	vst v63  }
0x5c: {  	s31 =	simm.s32 $0xB080  }
0x5d: {  	[tilespmem:s31], [sflag:$0x2] =	stream.indirect_vreg.gather [hbm4b:s8+s3], $0x80, v2, vm0, $0xb8;
	[tilespmem:$0x18880] =	vst v63  }
0x5e: {  	s19 =	simm.s32 $0xB880  }
0x5f: {  	[tilespmem:s19], [sflag:$0x2] =	stream.indirect_vreg.gather [hbm4b:s9+s3], $0x80, v2, vm0, $0xb8;
	[tilespmem:$0x18880] =	vst v63  }
0x60: {  	s31 =	simm.s32 $0xC080  }
0x61: {  	[tilespmem:s31], [sflag:$0x2] =	stream.indirect_vreg.gather [hbm4b:s10+s3], $0x80, v2, vm0, $0xb8;
	[tilespmem:$0x18880] =	vst v63  }
0x62: {  	s19 =	simm.s32 $0xC880  }
0x63: {  	[tilespmem:s19], [sflag:$0x2] =	stream.indirect_vreg.gather [hbm4b:s11+s3], $0x80, v2, vm0, $0xb8;
	[tilespmem:$0x18880] =	vst v63  }
0x64: {  	s31 =	simm.s32 $0xD080  }
0x65: {  	[tilespmem:s31], [sflag:$0x2] =	stream.indirect_vreg.gather [hbm4b:s12+s3], $0x80, v2, vm0, $0xb8;
	[tilespmem:$0x18880] =	vst v63  }
0x66: {  	s19 =	simm.s32 $0xD880  }
0x67: {  	[tilespmem:s19], [sflag:$0x2] =	stream.indirect_vreg.gather [hbm4b:s13+s3], $0x80, v2, vm0, $0xb8;
	[tilespmem:$0x18880] =	vst v63  }
0x68: {  	s31 =	simm.s32 $0xE080  }
0x69: {  	[tilespmem:s31], [sflag:$0x2] =	stream.indirect_vreg.gather [hbm4b:s14+s3], $0x80, v2, vm0, $0xb8;
	[tilespmem:$0x18880] =	vst v63  }
0x6a: {  	s19 =	simm.s32 $0xE880  }
0x6b: {  	[tilespmem:s19], [sflag:$0x2] =	stream.indirect_vreg.gather [hbm4b:s15+s3], $0x80, v2, vm0, $0xb8;
	[tilespmem:$0x18880] =	vst v63  }
0x6c: {  	s31 =	simm.s32 $0xF080  }
0x6d: {  	[tilespmem:s31], [sflag:$0x2] =	stream.indirect_vreg.gather [hbm4b:s16+s3], $0x80, v2, vm0, $0xb8;
	[tilespmem:$0x18880] =	vst v63  }
0x6e: {  	s19 =	simm.s32 $0xF880  }
0x6f: {  	[tilespmem:s19], [sflag:$0x2] =	stream.indirect_vreg.gather [hbm4b:s17+s3], $0x80, v2, vm0, $0xb8;
	[tilespmem:$0x18880] =	vst v63  }
0x70: {  	s31 =	simm.s32 $0x10080  }
0x71: {  	[tilespmem:s31], [sflag:$0x2] =	stream.indirect_vreg.gather [hbm4b:s18+s3], $0x80, v2, vm0, $0xb8;
	[tilespmem:$0x18880] =	vst v63  }
0x72: {  	_ =	swait.ge [sflag:s20], $0x8000  }
0x73: {  	s0 =	rddreg [dreg:$0x7];
	[sflag:s20] =	ssyncset.done $0x0  }
0x74: {  	s19 =	rddreg [dreg:$0x8];
	[sflag:s20] =	ssyncadd.s32 $0xFFFF8000  }
0x75: {  	[hbm4b:s0+s3] =	stream.linear.scatter [tilespmem:s24], [sflag:$0x4], $0x8000, $0x38;
	[tilespmem:$0x18880] =	vst v63  }
0x76: {  	v2 =	vld.msk [tilespmem:s19+$0x0], $0xff;
	_ =	sdelay $0x4  }
0x77: {  	v3 =	vshll.u32 v2, $0x5  }
0x78: {  	v2 =	vand.u32 $0x7, v2;
	v3 =	vand.u32 $0xFFFFFF00, v3  }
0x79: {  	v2 =	vor.u32 v2, v3  }
0x7a: {  	v2 =	vperm.xlane v2, v0;
	_ =	sdelay $0x1  }
0x7b: {  	v2 =	vadd.s32 v1, v2;
	_ =	sdelay $0x3  }
0x7c: {  	s31 =	simm.s32 $0x10880  }
0x7d: {  	[tilespmem:s31], [sflag:$0x3] =	stream.indirect_vreg.gather [hbm4b:s1+s3], $0x80, v2, vm0, $0xb8;
	[tilespmem:$0x18880] =	vst v63  }
0x7e: {  	s19 =	simm.s32 $0x11080  }
0x7f: {  	[tilespmem:s19], [sflag:$0x3] =	stream.indirect_vreg.gather [hbm4b:s4+s3], $0x80, v2, vm0, $0xb8;
	[tilespmem:$0x18880] =	vst v63  }
0x80: {  	s0 =	simm.s32 $0x11880  }
0x81: {  	[tilespmem:s0], [sflag:$0x3] =	stream.indirect_vreg.gather [hbm4b:s5+s3], $0x80, v2, vm0, $0xb8;
	[tilespmem:$0x18880] =	vst v63  }
0x82: {  	s0 =	simm.s32 $0x12080  }
0x83: {  	[tilespmem:s0], [sflag:$0x3] =	stream.indirect_vreg.gather [hbm4b:s6+s3], $0x80, v2, vm0, $0xb8;
	[tilespmem:$0x18880] =	vst v63  }
0x84: {  	s0 =	simm.s32 $0x12880  }
0x85: {  	[tilespmem:s0], [sflag:$0x3] =	stream.indirect_vreg.gather [hbm4b:s7+s3], $0x80, v2, vm0, $0xb8;
	[tilespmem:$0x18880] =	vst v63  }
0x86: {  	s0 =	simm.s32 $0x13080  }
0x87: {  	[tilespmem:s0], [sflag:$0x3] =	stream.indirect_vreg.gather [hbm4b:s8+s3], $0x80, v2, vm0, $0xb8;
	[tilespmem:$0x18880] =	vst v63  }
0x88: {  	s0 =	simm.s32 $0x13880  }
0x89: {  	[tilespmem:s0], [sflag:$0x3] =	stream.indirect_vreg.gather [hbm4b:s9+s3], $0x80, v2, vm0, $0xb8;
	[tilespmem:$0x18880] =	vst v63  }
0x8a: {  	s0 =	simm.s32 $0x14080  }
0x8b: {  	[tilespmem:s0], [sflag:$0x3] =	stream.indirect_vreg.gather [hbm4b:s10+s3], $0x80, v2, vm0, $0xb8;
	[tilespmem:$0x18880] =	vst v63  }
0x8c: {  	_ = 	snop  }
0x8d: {  	[tilespmem:s29], [sflag:$0x3] =	stream.indirect_vreg.gather [hbm4b:s11+s3], $0x80, v2, vm0, $0xb8;
	[tilespmem:$0x18880] =	vst v63  }
0x8e: {  	_ = 	snop  }
0x8f: {  	[tilespmem:s30], [sflag:$0x3] =	stream.indirect_vreg.gather [hbm4b:s12+s3], $0x80, v2, vm0, $0xb8;
	[tilespmem:$0x18880] =	vst v63  }
0x90: {  	s0 =	simm.s32 $0x15880  }
0x91: {  	[tilespmem:s0], [sflag:$0x3] =	stream.indirect_vreg.gather [hbm4b:s13+s3], $0x80, v2, vm0, $0xb8;
	[tilespmem:$0x18880] =	vst v63  }
0x92: {  	s0 =	simm.s32 $0x16080  }
0x93: {  	[tilespmem:s0], [sflag:$0x3] =	stream.indirect_vreg.gather [hbm4b:s14+s3], $0x80, v2, vm0, $0xb8;
	[tilespmem:$0x18880] =	vst v63  }
0x94: {  	s0 =	simm.s32 $0x16880  }
0x95: {  	[tilespmem:s0], [sflag:$0x3] =	stream.indirect_vreg.gather [hbm4b:s15+s3], $0x80, v2, vm0, $0xb8;
	[tilespmem:$0x18880] =	vst v63  }
0x96: {  	s0 =	simm.s32 $0x17080  }
0x97: {  	[tilespmem:s0], [sflag:$0x3] =	stream.indirect_vreg.gather [hbm4b:s16+s3], $0x80, v2, vm0, $0xb8;
	[tilespmem:$0x18880] =	vst v63  }
0x98: {  	s0 =	simm.s32 $0x17880  }
0x99: {  	[tilespmem:s0], [sflag:$0x3] =	stream.indirect_vreg.gather [hbm4b:s17+s3], $0x80, v2, vm0, $0xb8;
	[tilespmem:$0x18880] =	vst v63  }
0x9a: {  	s0 =	simm.s32 $0x18080  }
0x9b: {  	[tilespmem:s0], [sflag:$0x3] =	stream.indirect_vreg.gather [hbm4b:s18+s3], $0x80, v2, vm0, $0xb8;
	[tilespmem:$0x18880] =	vst v63  }
0x9c: {  	_ =	swait.ge [sflag:s21], $0x8000  }
0x9d: {  	[sflag:s21] =	ssyncset.done $0x0  }
0x9e: {  	s0 =	rddreg [dreg:$0x9];
	[sflag:s21] =	ssyncadd.s32 $0xFFFF8000  }
0x9f: {  	[hbm4b:s0+s3] =	stream.linear.scatter [tilespmem:s2], [sflag:$0x5], $0x8000, $0x38;
	[tilespmem:$0x18880] =	vst v63  }
0xa0: {  	_ =	swait.ge [sflag:s22], $0x8000  }
0xa1: {  	[sflag:s22] =	ssyncset.done $0x0  }
0xa2: {  	s0 =	rddreg [dreg:$0xa];
	[sflag:s22] =	ssyncadd.s32 $0xFFFF8000  }
0xa3: {  	v2 =	vld.msk [tilespmem:s0+$0x0], $0xff;
	_ =	sdelay $0x4  }
0xa4: {  	v3 =	vshll.u32 v2, $0x5  }
0xa5: {  	v2 =	vand.u32 $0x7, v2;
	v3 =	vand.u32 $0xFFFFFF00, v3  }
0xa6: {  	v2 =	vor.u32 v2, v3  }
0xa7: {  	v2 =	vperm.xlane v2, v0;
	_ =	sdelay $0x1  }
0xa8: {  	v2 =	vadd.s32 v1, v2;
	_ =	sdelay $0x4  }
0xa9: {  	[tilespmem:s24], [sflag:$0x1] =	stream.indirect_vreg.gather [hbm4b:s1+s3], $0x80, v2, vm0, $0xb8;
	[tilespmem:$0x18880] =	vst v63  }
0xaa: {  	s0 =	simm.s32 $0x1080  }
0xab: {  	[tilespmem:s0], [sflag:$0x1] =	stream.indirect_vreg.gather [hbm4b:s4+s3], $0x80, v2, vm0, $0xb8;
	[tilespmem:$0x18880] =	vst v63  }
0xac: {  	s0 =	simm.s32 $0x1880  }
0xad: {  	[tilespmem:s0], [sflag:$0x1] =	stream.indirect_vreg.gather [hbm4b:s5+s3], $0x80, v2, vm0, $0xb8;
	[tilespmem:$0x18880] =	vst v63  }
0xae: {  	s0 =	simm.s32 $0x2080  }
0xaf: {  	[tilespmem:s0], [sflag:$0x1] =	stream.indirect_vreg.gather [hbm4b:s6+s3], $0x80, v2, vm0, $0xb8;
	[tilespmem:$0x18880] =	vst v63  }
0xb0: {  	s0 =	simm.s32 $0x2880  }
0xb1: {  	[tilespmem:s0], [sflag:$0x1] =	stream.indirect_vreg.gather [hbm4b:s7+s3], $0x80, v2, vm0, $0xb8;
	[tilespmem:$0x18880] =	vst v63  }
0xb2: {  	s0 =	simm.s32 $0x3080  }
0xb3: {  	[tilespmem:s0], [sflag:$0x1] =	stream.indirect_vreg.gather [hbm4b:s8+s3], $0x80, v2, vm0, $0xb8;
	[tilespmem:$0x18880] =	vst v63  }
0xb4: {  	s0 =	simm.s32 $0x3880  }
0xb5: {  	[tilespmem:s0], [sflag:$0x1] =	stream.indirect_vreg.gather [hbm4b:s9+s3], $0x80, v2, vm0, $0xb8;
	[tilespmem:$0x18880] =	vst v63  }
0xb6: {  	s0 =	simm.s32 $0x4080  }
0xb7: {  	[tilespmem:s0], [sflag:$0x1] =	stream.indirect_vreg.gather [hbm4b:s10+s3], $0x80, v2, vm0, $0xb8;
	[tilespmem:$0x18880] =	vst v63  }
0xb8: {  	s0 =	simm.s32 $0x4880  }
0xb9: {  	[tilespmem:s0], [sflag:$0x1] =	stream.indirect_vreg.gather [hbm4b:s11+s3], $0x80, v2, vm0, $0xb8;
	[tilespmem:$0x18880] =	vst v63  }
0xba: {  	s0 =	simm.s32 $0x5080  }
0xbb: {  	[tilespmem:s0], [sflag:$0x1] =	stream.indirect_vreg.gather [hbm4b:s12+s3], $0x80, v2, vm0, $0xb8;
	[tilespmem:$0x18880] =	vst v63  }
0xbc: {  	s0 =	simm.s32 $0x5880  }
0xbd: {  	[tilespmem:s0], [sflag:$0x1] =	stream.indirect_vreg.gather [hbm4b:s13+s3], $0x80, v2, vm0, $0xb8;
	[tilespmem:$0x18880] =	vst v63  }
0xbe: {  	s26 =	simm.s32 $0x6080  }
0xbf: {  	[tilespmem:s26], [sflag:$0x1] =	stream.indirect_vreg.gather [hbm4b:s14+s3], $0x80, v2, vm0, $0xb8;
	[tilespmem:$0x18880] =	vst v63  }
0xc0: {  	s26 =	simm.s32 $0x6880  }
0xc1: {  	[tilespmem:s26], [sflag:$0x1] =	stream.indirect_vreg.gather [hbm4b:s15+s3], $0x80, v2, vm0, $0xb8;
	[tilespmem:$0x18880] =	vst v63  }
0xc2: {  	s26 =	simm.s32 $0x7080  }
0xc3: {  	[tilespmem:s26], [sflag:$0x1] =	stream.indirect_vreg.gather [hbm4b:s16+s3], $0x80, v2, vm0, $0xb8;
	[tilespmem:$0x18880] =	vst v63  }
0xc4: {  	s25 =	simm.s32 $0x7880  }
0xc5: {  	[tilespmem:s25], [sflag:$0x1] =	stream.indirect_vreg.gather [hbm4b:s17+s3], $0x80, v2, vm0, $0xb8;
	[tilespmem:$0x18880] =	vst v63  }
0xc6: {  	s23 =	simm.s32 $0x8080  }
0xc7: {  	[tilespmem:s23], [sflag:$0x1] =	stream.indirect_vreg.gather [hbm4b:s18+s3], $0x80, v2, vm0, $0xb8;
	[tilespmem:$0x18880] =	vst v63  }
0xc8: {  	s23 =	simm.s32 $0x3  }
0xc9: {  	_ =	swait.ge [sflag:s23], $0x8000  }
0xca: {  	[sflag:s23] =	ssyncset.done $0x0  }
0xcb: {  	s25 =	rddreg [dreg:$0xb];
	[sflag:s23] =	ssyncadd.s32 $0xFFFF8000  }
0xcc: {  	[hbm4b:s25+s3] =	stream.linear.scatter [tilespmem:s31], [sflag:$0x6], $0x8000, $0x38;
	[tilespmem:$0x18880] =	vst v63  }
0xcd: {  	s25 =	simm.s32 $0x5  }
0xce: {  	_ =	swait.ge [sflag:s25], $0x8000  }
0xcf: {  	[sflag:s25] =	ssyncset.done $0x0  }
0xd0: {  	s26 =	rddreg [dreg:$0xc];
	[sflag:s25] =	ssyncadd.s32 $0xFFFF8000  }
0xd1: {  	v2 =	vld.msk [tilespmem:s26+$0x0], $0xff;
	_ =	sdelay $0x4  }
0xd2: {  	v3 =	vshll.u32 v2, $0x5  }
0xd3: {  	v2 =	vand.u32 $0x7, v2;
	v3 =	vand.u32 $0xFFFFFF00, v3  }
0xd4: {  	v2 =	vor.u32 v2, v3  }
0xd5: {  	v2 =	vperm.xlane v2, v0;
	_ =	sdelay $0x1  }
0xd6: {  	v2 =	vadd.s32 v1, v2;
	_ =	sdelay $0x4  }
0xd7: {  	[tilespmem:s2], [sflag:$0x2] =	stream.indirect_vreg.gather [hbm4b:s1+s3], $0x80, v2, vm0, $0xb8;
	[tilespmem:$0x18880] =	vst v63  }
0xd8: {  	s26 =	simm.s32 $0x9080  }
0xd9: {  	[tilespmem:s26], [sflag:$0x2] =	stream.indirect_vreg.gather [hbm4b:s4+s3], $0x80, v2, vm0, $0xb8;
	[tilespmem:$0x18880] =	vst v63  }
0xda: {  	s26 =	simm.s32 $0x9880  }
0xdb: {  	[tilespmem:s26], [sflag:$0x2] =	stream.indirect_vreg.gather [hbm4b:s5+s3], $0x80, v2, vm0, $0xb8;
	[tilespmem:$0x18880] =	vst v63  }
0xdc: {  	s26 =	simm.s32 $0xA080  }
0xdd: {  	[tilespmem:s26], [sflag:$0x2] =	stream.indirect_vreg.gather [hbm4b:s6+s3], $0x80, v2, vm0, $0xb8;
	[tilespmem:$0x18880] =	vst v63  }
0xde: {  	s26 =	simm.s32 $0xA880  }
0xdf: {  	[tilespmem:s26], [sflag:$0x2] =	stream.indirect_vreg.gather [hbm4b:s7+s3], $0x80, v2, vm0, $0xb8;
	[tilespmem:$0x18880] =	vst v63  }
0xe0: {  	s26 =	simm.s32 $0xB080  }
0xe1: {  	[tilespmem:s26], [sflag:$0x2] =	stream.indirect_vreg.gather [hbm4b:s8+s3], $0x80, v2, vm0, $0xb8;
	[tilespmem:$0x18880] =	vst v63  }
0xe2: {  	s26 =	simm.s32 $0xB880  }
0xe3: {  	[tilespmem:s26], [sflag:$0x2] =	stream.indirect_vreg.gather [hbm4b:s9+s3], $0x80, v2, vm0, $0xb8;
	[tilespmem:$0x18880] =	vst v63  }
0xe4: {  	s26 =	simm.s32 $0xC080  }
0xe5: {  	[tilespmem:s26], [sflag:$0x2] =	stream.indirect_vreg.gather [hbm4b:s10+s3], $0x80, v2, vm0, $0xb8;
	[tilespmem:$0x18880] =	vst v63  }
0xe6: {  	s26 =	simm.s32 $0xC880  }
0xe7: {  	[tilespmem:s26], [sflag:$0x2] =	stream.indirect_vreg.gather [hbm4b:s11+s3], $0x80, v2, vm0, $0xb8;
	[tilespmem:$0x18880] =	vst v63  }
0xe8: {  	s26 =	simm.s32 $0xD080  }
0xe9: {  	[tilespmem:s26], [sflag:$0x2] =	stream.indirect_vreg.gather [hbm4b:s12+s3], $0x80, v2, vm0, $0xb8;
	[tilespmem:$0x18880] =	vst v63  }
0xea: {  	s26 =	simm.s32 $0xD880  }
0xeb: {  	[tilespmem:s26], [sflag:$0x2] =	stream.indirect_vreg.gather [hbm4b:s13+s3], $0x80, v2, vm0, $0xb8;
	[tilespmem:$0x18880] =	vst v63  }
0xec: {  	s26 =	simm.s32 $0xE080  }
0xed: {  	[tilespmem:s26], [sflag:$0x2] =	stream.indirect_vreg.gather [hbm4b:s14+s3], $0x80, v2, vm0, $0xb8;
	[tilespmem:$0x18880] =	vst v63  }
0xee: {  	s26 =	simm.s32 $0xE880  }
0xef: {  	[tilespmem:s26], [sflag:$0x2] =	stream.indirect_vreg.gather [hbm4b:s15+s3], $0x80, v2, vm0, $0xb8;
	[tilespmem:$0x18880] =	vst v63  }
0xf0: {  	s26 =	simm.s32 $0xF080  }
0xf1: {  	[tilespmem:s26], [sflag:$0x2] =	stream.indirect_vreg.gather [hbm4b:s16+s3], $0x80, v2, vm0, $0xb8;
	[tilespmem:$0x18880] =	vst v63  }
0xf2: {  	s26 =	simm.s32 $0xF880  }
0xf3: {  	[tilespmem:s26], [sflag:$0x2] =	stream.indirect_vreg.gather [hbm4b:s17+s3], $0x80, v2, vm0, $0xb8;
	[tilespmem:$0x18880] =	vst v63  }
0xf4: {  	s26 =	simm.s32 $0x10080  }
0xf5: {  	[tilespmem:s26], [sflag:$0x2] =	stream.indirect_vreg.gather [hbm4b:s18+s3], $0x80, v2, vm0, $0xb8;
	[tilespmem:$0x18880] =	vst v63  }
0xf6: {  	_ =	swait.ge [sflag:s20], $0x8000  }
0xf7: {  	[sflag:s20] =	ssyncset.done $0x0  }
0xf8: {  	s26 =	rddreg [dreg:$0xd];
	[sflag:s20] =	ssyncadd.s32 $0xFFFF8000  }
0xf9: {  	[hbm4b:s26+s3] =	stream.linear.scatter [tilespmem:s24], [sflag:$0x4], $0x8000, $0x38;
	[tilespmem:$0x18880] =	vst v63  }
0xfa: {  	s26 =	simm.s32 $0x6  }
0xfb: {  	_ =	swait.ge [sflag:s26], $0x8000  }
0xfc: {  	[sflag:s26] =	ssyncset.done $0x0  }
0xfd: {  	s0 =	rddreg [dreg:$0xe];
	[sflag:s26] =	ssyncadd.s32 $0xFFFF8000  }
0xfe: {  	v2 =	vld.msk [tilespmem:s0+$0x0], $0xff;
	_ =	sdelay $0x4  }
0xff: {  	v3 =	vshll.u32 v2, $0x5  }
0x100: {  	v2 =	vand.u32 $0x7, v2;
	v3 =	vand.u32 $0xFFFFFF00, v3  }
0x101: {  	v2 =	vor.u32 v2, v3  }
0x102: {  	v2 =	vperm.xlane v2, v0;
	_ =	sdelay $0x1  }
0x103: {  	v2 =	vadd.s32 v1, v2;
	_ =	sdelay $0x4  }
0x104: {  	[tilespmem:s31], [sflag:$0x3] =	stream.indirect_vreg.gather [hbm4b:s1+s3], $0x80, v2, vm0, $0xb8;
	[tilespmem:$0x18880] =	vst v63  }
0x105: {  	_ = 	snop  }
0x106: {  	[tilespmem:s19], [sflag:$0x3] =	stream.indirect_vreg.gather [hbm4b:s4+s3], $0x80, v2, vm0, $0xb8;
	[tilespmem:$0x18880] =	vst v63  }
0x107: {  	s19 =	simm.s32 $0x11880  }
0x108: {  	[tilespmem:s19], [sflag:$0x3] =	stream.indirect_vreg.gather [hbm4b:s5+s3], $0x80, v2, vm0, $0xb8;
	[tilespmem:$0x18880] =	vst v63  }
0x109: {  	s19 =	simm.s32 $0x12080  }
0x10a: {  	[tilespmem:s19], [sflag:$0x3] =	stream.indirect_vreg.gather [hbm4b:s6+s3], $0x80, v2, vm0, $0xb8;
	[tilespmem:$0x18880] =	vst v63  }
0x10b: {  	s19 =	simm.s32 $0x12880  }
0x10c: {  	[tilespmem:s19], [sflag:$0x3] =	stream.indirect_vreg.gather [hbm4b:s7+s3], $0x80, v2, vm0, $0xb8;
	[tilespmem:$0x18880] =	vst v63  }
0x10d: {  	s19 =	simm.s32 $0x13080  }
0x10e: {  	[tilespmem:s19], [sflag:$0x3] =	stream.indirect_vreg.gather [hbm4b:s8+s3], $0x80, v2, vm0, $0xb8;
	[tilespmem:$0x18880] =	vst v63  }
0x10f: {  	s19 =	simm.s32 $0x13880  }
0x110: {  	[tilespmem:s19], [sflag:$0x3] =	stream.indirect_vreg.gather [hbm4b:s9+s3], $0x80, v2, vm0, $0xb8;
	[tilespmem:$0x18880] =	vst v63  }
0x111: {  	s19 =	simm.s32 $0x14080  }
0x112: {  	[tilespmem:s19], [sflag:$0x3] =	stream.indirect_vreg.gather [hbm4b:s10+s3], $0x80, v2, vm0, $0xb8;
	[tilespmem:$0x18880] =	vst v63  }
0x113: {  	_ = 	snop  }
0x114: {  	[tilespmem:s29], [sflag:$0x3] =	stream.indirect_vreg.gather [hbm4b:s11+s3], $0x80, v2, vm0, $0xb8;
	[tilespmem:$0x18880] =	vst v63  }
0x115: {  	_ = 	snop  }
0x116: {  	[tilespmem:s30], [sflag:$0x3] =	stream.indirect_vreg.gather [hbm4b:s12+s3], $0x80, v2, vm0, $0xb8;
	[tilespmem:$0x18880] =	vst v63  }
0x117: {  	s19 =	simm.s32 $0x15880  }
0x118: {  	[tilespmem:s19], [sflag:$0x3] =	stream.indirect_vreg.gather [hbm4b:s13+s3], $0x80, v2, vm0, $0xb8;
	[tilespmem:$0x18880] =	vst v63  }
0x119: {  	s19 =	simm.s32 $0x16080  }
0x11a: {  	[tilespmem:s19], [sflag:$0x3] =	stream.indirect_vreg.gather [hbm4b:s14+s3], $0x80, v2, vm0, $0xb8;
	[tilespmem:$0x18880] =	vst v63  }
0x11b: {  	s19 =	simm.s32 $0x16880  }
0x11c: {  	[tilespmem:s19], [sflag:$0x3] =	stream.indirect_vreg.gather [hbm4b:s15+s3], $0x80, v2, vm0, $0xb8;
	[tilespmem:$0x18880] =	vst v63  }
0x11d: {  	s19 =	simm.s32 $0x17080  }
0x11e: {  	[tilespmem:s19], [sflag:$0x3] =	stream.indirect_vreg.gather [hbm4b:s16+s3], $0x80, v2, vm0, $0xb8;
	[tilespmem:$0x18880] =	vst v63  }
0x11f: {  	s19 =	simm.s32 $0x17880  }
0x120: {  	[tilespmem:s19], [sflag:$0x3] =	stream.indirect_vreg.gather [hbm4b:s17+s3], $0x80, v2, vm0, $0xb8;
	[tilespmem:$0x18880] =	vst v63  }
0x121: {  	s19 =	simm.s32 $0x18080  }
0x122: {  	[tilespmem:s19], [sflag:$0x3] =	stream.indirect_vreg.gather [hbm4b:s18+s3], $0x80, v2, vm0, $0xb8;
	[tilespmem:$0x18880] =	vst v63  }
0x123: {  	_ =	swait.ge [sflag:s21], $0x8000  }
0x124: {  	[sflag:s21] =	ssyncset.done $0x0  }
0x125: {  	s19 =	rddreg [dreg:$0xf];
	[sflag:s21] =	ssyncadd.s32 $0xFFFF8000  }
0x126: {  	[hbm4b:s19+s3] =	stream.linear.scatter [tilespmem:s2], [sflag:$0x5], $0x8000, $0x38;
	[tilespmem:$0x18880] =	vst v63  }
0x127: {  	_ =	swait.ge [sflag:s22], $0x8000  }
0x128: {  	[sflag:s22] =	ssyncset.done $0x0  }
0x129: {  	s19 =	rddreg [dreg:$0x10];
	[sflag:s22] =	ssyncadd.s32 $0xFFFF8000  }
0x12a: {  	v2 =	vld.msk [tilespmem:s19+$0x0], $0xff;
	_ =	sdelay $0x4  }
0x12b: {  	v3 =	vshll.u32 v2, $0x5  }
0x12c: {  	v2 =	vand.u32 $0x7, v2;
	v3 =	vand.u32 $0xFFFFFF00, v3  }
0x12d: {  	v2 =	vor.u32 v2, v3  }
0x12e: {  	v2 =	vperm.xlane v2, v0;
	_ =	sdelay $0x1  }
0x12f: {  	v2 =	vadd.s32 v1, v2;
	_ =	sdelay $0x4  }
0x130: {  	[tilespmem:s24], [sflag:$0x1] =	stream.indirect_vreg.gather [hbm4b:s1+s3], $0x80, v2, vm0, $0xb8;
	[tilespmem:$0x18880] =	vst v63  }
0x131: {  	s19 =	simm.s32 $0x1080  }
0x132: {  	[tilespmem:s19], [sflag:$0x1] =	stream.indirect_vreg.gather [hbm4b:s4+s3], $0x80, v2, vm0, $0xb8;
	[tilespmem:$0x18880] =	vst v63  }
0x133: {  	s19 =	simm.s32 $0x1880  }
0x134: {  	[tilespmem:s19], [sflag:$0x1] =	stream.indirect_vreg.gather [hbm4b:s5+s3], $0x80, v2, vm0, $0xb8;
	[tilespmem:$0x18880] =	vst v63  }
0x135: {  	s19 =	simm.s32 $0x2080  }
0x136: {  	[tilespmem:s19], [sflag:$0x1] =	stream.indirect_vreg.gather [hbm4b:s6+s3], $0x80, v2, vm0, $0xb8;
	[tilespmem:$0x18880] =	vst v63  }
0x137: {  	s19 =	simm.s32 $0x2880  }
0x138: {  	[tilespmem:s19], [sflag:$0x1] =	stream.indirect_vreg.gather [hbm4b:s7+s3], $0x80, v2, vm0, $0xb8;
	[tilespmem:$0x18880] =	vst v63  }
0x139: {  	s19 =	simm.s32 $0x3080  }
0x13a: {  	[tilespmem:s19], [sflag:$0x1] =	stream.indirect_vreg.gather [hbm4b:s8+s3], $0x80, v2, vm0, $0xb8;
	[tilespmem:$0x18880] =	vst v63  }
0x13b: {  	s19 =	simm.s32 $0x3880  }
0x13c: {  	[tilespmem:s19], [sflag:$0x1] =	stream.indirect_vreg.gather [hbm4b:s9+s3], $0x80, v2, vm0, $0xb8;
	[tilespmem:$0x18880] =	vst v63  }
0x13d: {  	s19 =	simm.s32 $0x4080  }
0x13e: {  	[tilespmem:s19], [sflag:$0x1] =	stream.indirect_vreg.gather [hbm4b:s10+s3], $0x80, v2, vm0, $0xb8;
	[tilespmem:$0x18880] =	vst v63  }
0x13f: {  	s19 =	simm.s32 $0x4880  }
0x140: {  	[tilespmem:s19], [sflag:$0x1] =	stream.indirect_vreg.gather [hbm4b:s11+s3], $0x80, v2, vm0, $0xb8;
	[tilespmem:$0x18880] =	vst v63  }
0x141: {  	s19 =	simm.s32 $0x5080  }
0x142: {  	[tilespmem:s19], [sflag:$0x1] =	stream.indirect_vreg.gather [hbm4b:s12+s3], $0x80, v2, vm0, $0xb8;
	[tilespmem:$0x18880] =	vst v63  }
0x143: {  	s19 =	simm.s32 $0x5880  }
0x144: {  	[tilespmem:s19], [sflag:$0x1] =	stream.indirect_vreg.gather [hbm4b:s13+s3], $0x80, v2, vm0, $0xb8;
	[tilespmem:$0x18880] =	vst v63  }
0x145: {  	s19 =	simm.s32 $0x6080  }
0x146: {  	[tilespmem:s19], [sflag:$0x1] =	stream.indirect_vreg.gather [hbm4b:s14+s3], $0x80, v2, vm0, $0xb8;
	[tilespmem:$0x18880] =	vst v63  }
0x147: {  	s19 =	simm.s32 $0x6880  }
0x148: {  	[tilespmem:s19], [sflag:$0x1] =	stream.indirect_vreg.gather [hbm4b:s15+s3], $0x80, v2, vm0, $0xb8;
	[tilespmem:$0x18880] =	vst v63  }
0x149: {  	s19 =	simm.s32 $0x7080  }
0x14a: {  	[tilespmem:s19], [sflag:$0x1] =	stream.indirect_vreg.gather [hbm4b:s16+s3], $0x80, v2, vm0, $0xb8;
	[tilespmem:$0x18880] =	vst v63  }
0x14b: {  	s19 =	simm.s32 $0x7880  }
0x14c: {  	[tilespmem:s19], [sflag:$0x1] =	stream.indirect_vreg.gather [hbm4b:s17+s3], $0x80, v2, vm0, $0xb8;
	[tilespmem:$0x18880] =	vst v63  }
0x14d: {  	s19 =	simm.s32 $0x8080  }
0x14e: {  	[tilespmem:s19], [sflag:$0x1] =	stream.indirect_vreg.gather [hbm4b:s18+s3], $0x80, v2, vm0, $0xb8;
	[tilespmem:$0x18880] =	vst v63  }
0x14f: {  	_ =	swait.ge [sflag:s23], $0x8000  }
0x150: {  	[sflag:s23] =	ssyncset.done $0x0  }
0x151: {  	s19 =	rddreg [dreg:$0x11];
	[sflag:s23] =	ssyncadd.s32 $0xFFFF8000  }
0x152: {  	[hbm4b:s19+s3] =	stream.linear.scatter [tilespmem:s31], [sflag:$0x6], $0x8000, $0x38;
	[tilespmem:$0x18880] =	vst v63  }
0x153: {  	_ =	swait.ge [sflag:s25], $0x8000  }
0x154: {  	[sflag:s25] =	ssyncset.done $0x0  }
0x155: {  	s23 =	rddreg [dreg:$0x12];
	[sflag:s25] =	ssyncadd.s32 $0xFFFF8000  }
0x156: {  	v2 =	vld.msk [tilespmem:s23+$0x0], $0xff;
	_ =	sdelay $0x4  }
0x157: {  	v3 =	vshll.u32 v2, $0x5  }
0x158: {  	v2 =	vand.u32 $0x7, v2;
	v3 =	vand.u32 $0xFFFFFF00, v3  }
0x159: {  	v2 =	vor.u32 v2, v3  }
0x15a: {  	v2 =	vperm.xlane v2, v0;
	_ =	sdelay $0x1  }
0x15b: {  	v2 =	vadd.s32 v1, v2;
	_ =	sdelay $0x4  }
0x15c: {  	[tilespmem:s2], [sflag:$0x2] =	stream.indirect_vreg.gather [hbm4b:s1+s3], $0x80, v2, vm0, $0xb8;
	[tilespmem:$0x18880] =	vst v63  }
0x15d: {  	s31 =	simm.s32 $0x9080  }
0x15e: {  	[tilespmem:s31], [sflag:$0x2] =	stream.indirect_vreg.gather [hbm4b:s4+s3], $0x80, v2, vm0, $0xb8;
	[tilespmem:$0x18880] =	vst v63  }
0x15f: {  	s2 =	simm.s32 $0x9880  }
0x160: {  	[tilespmem:s2], [sflag:$0x2] =	stream.indirect_vreg.gather [hbm4b:s5+s3], $0x80, v2, vm0, $0xb8;
	[tilespmem:$0x18880] =	vst v63  }
0x161: {  	s19 =	simm.s32 $0xA080  }
0x162: {  	[tilespmem:s19], [sflag:$0x2] =	stream.indirect_vreg.gather [hbm4b:s6+s3], $0x80, v2, vm0, $0xb8;
	[tilespmem:$0x18880] =	vst v63  }
0x163: {  	s23 =	simm.s32 $0xA880  }
0x164: {  	[tilespmem:s23], [sflag:$0x2] =	stream.indirect_vreg.gather [hbm4b:s7+s3], $0x80, v2, vm0, $0xb8;
	[tilespmem:$0x18880] =	vst v63  }
0x165: {  	s25 =	simm.s32 $0xB080  }
0x166: {  	[tilespmem:s25], [sflag:$0x2] =	stream.indirect_vreg.gather [hbm4b:s8+s3], $0x80, v2, vm0, $0xb8;
	[tilespmem:$0x18880] =	vst v63  }
0x167: {  	s31 =	simm.s32 $0xB880  }
0x168: {  	[tilespmem:s31], [sflag:$0x2] =	stream.indirect_vreg.gather [hbm4b:s9+s3], $0x80, v2, vm0, $0xb8;
	[tilespmem:$0x18880] =	vst v63  }
0x169: {  	s2 =	simm.s32 $0xC080  }
0x16a: {  	[tilespmem:s2], [sflag:$0x2] =	stream.indirect_vreg.gather [hbm4b:s10+s3], $0x80, v2, vm0, $0xb8;
	[tilespmem:$0x18880] =	vst v63  }
0x16b: {  	s19 =	simm.s32 $0xC880  }
0x16c: {  	[tilespmem:s19], [sflag:$0x2] =	stream.indirect_vreg.gather [hbm4b:s11+s3], $0x80, v2, vm0, $0xb8;
	[tilespmem:$0x18880] =	vst v63  }
0x16d: {  	s23 =	simm.s32 $0xD080  }
0x16e: {  	[tilespmem:s23], [sflag:$0x2] =	stream.indirect_vreg.gather [hbm4b:s12+s3], $0x80, v2, vm0, $0xb8;
	[tilespmem:$0x18880] =	vst v63  }
0x16f: {  	s25 =	simm.s32 $0xD880  }
0x170: {  	[tilespmem:s25], [sflag:$0x2] =	stream.indirect_vreg.gather [hbm4b:s13+s3], $0x80, v2, vm0, $0xb8;
	[tilespmem:$0x18880] =	vst v63  }
0x171: {  	s31 =	simm.s32 $0xE080  }
0x172: {  	[tilespmem:s31], [sflag:$0x2] =	stream.indirect_vreg.gather [hbm4b:s14+s3], $0x80, v2, vm0, $0xb8;
	[tilespmem:$0x18880] =	vst v63  }
0x173: {  	s2 =	simm.s32 $0xE880  }
0x174: {  	[tilespmem:s2], [sflag:$0x2] =	stream.indirect_vreg.gather [hbm4b:s15+s3], $0x80, v2, vm0, $0xb8;
	[tilespmem:$0x18880] =	vst v63  }
0x175: {  	s19 =	simm.s32 $0xF080  }
0x176: {  	[tilespmem:s19], [sflag:$0x2] =	stream.indirect_vreg.gather [hbm4b:s16+s3], $0x80, v2, vm0, $0xb8;
	[tilespmem:$0x18880] =	vst v63  }
0x177: {  	s23 =	simm.s32 $0xF880  }
0x178: {  	[tilespmem:s23], [sflag:$0x2] =	stream.indirect_vreg.gather [hbm4b:s17+s3], $0x80, v2, vm0, $0xb8;
	[tilespmem:$0x18880] =	vst v63  }
0x179: {  	s25 =	simm.s32 $0x10080  }
0x17a: {  	[tilespmem:s25], [sflag:$0x2] =	stream.indirect_vreg.gather [hbm4b:s18+s3], $0x80, v2, vm0, $0xb8;
	[tilespmem:$0x18880] =	vst v63  }
0x17b: {  	_ =	swait.ge [sflag:s20], $0x8000  }
0x17c: {  	[sflag:s20] =	ssyncset.done $0x0  }
0x17d: {  	s31 =	rddreg [dreg:$0x13];
	[sflag:s20] =	ssyncadd.s32 $0xFFFF8000  }
0x17e: {  	[hbm4b:s31+s3] =	stream.linear.scatter [tilespmem:s24], [sflag:$0x4], $0x8000, $0x38;
	[tilespmem:$0x18880] =	vst v63  }
0x17f: {  	_ =	swait.ge [sflag:s26], $0x8000  }
0x180: {  	[sflag:s26] =	ssyncset.done $0x0  }
0x181: {  	s0 =	simm.s32 @p0 $0x2;
	[sflag:s26] =	ssyncadd.s32 $0xFFFF8000  }
0x182: {  	_ =	swait.ge @p0 [sflag:s0], $0x8000  }
0x183: {  	s2 =	simm.s32 @p0 $0x8880;
	[sflag:s0] =	ssyncset.done @p0 $0x0;
	s31 =	rddreg [dreg:$0x14]  }
0x184: {  	s19 =	rddreg [dreg:$0x16];
	[sflag:s0] =	ssyncadd.s32 @p0 $0xFFFF8000;
	s0 =	simm.s32 @p0 $0x0  }
0x185: {  	[hbm4b:s19+s0] =	stream.linear.scatter @p0 [tilespmem:s2], [sflag:$0x5], $0x8000, $0x38;
	[tilespmem:$0x18880] =	vst v63  }
0x186: {  	v2 =	vld.msk @!p0 [tilespmem:s31+$0x0], $0xff;
	_ =	sdelay $0x4  }
0x187: {  	v3 =	vshll.u32 @!p0 v2, $0x5  }
0x188: {  	v4 =	vlaneseq.u32 @!p0;
	v2 =	vand.u32 @!p0 $0x7, v2;
	v3 =	vand.u32 @!p0 $0xFFFFFF00, v3  }
0x189: {  	v2 =	vor.u32 @!p0 v2, v3;
	v3 =	vand.u32 @!p0 $0x7, v4;
	v4 =	vshrl.u32 @!p0 v4, $0x3  }
0x18a: {  	v2 =	vperm.xlane @!p0 v2, v3;
	v3 =	vmul.u32 @!p0 $0x8, v4;
	_ =	sdelay $0x1  }
0x18b: {  	v2 =	vadd.s32 @!p0 v3, v2;
	_ =	sdelay $0x3  }
0x18c: {  	s0 =	simm.s32 @!p0 $0x0;
	s2 =	simm.s32 @!p0 $0x10880  }
0x18d: {  	[tilespmem:s2], [sflag:$0x3] =	stream.indirect_vreg.gather @!p0 [hbm4b:s1+s0], $0x80, v2, vm1, $0xb8;
	[tilespmem:$0x18880] =	vst v63  }
0x18e: {  	s31 =	simm.s32 @!p0 $0x11080  }
0x18f: {  	[tilespmem:s31], [sflag:$0x3] =	stream.indirect_vreg.gather @!p0 [hbm4b:s4+s0], $0x80, v2, vm1, $0xb8;
	[tilespmem:$0x18880] =	vst v63  }
0x190: {  	s31 =	simm.s32 @!p0 $0x11880  }
0x191: {  	[tilespmem:s31], [sflag:$0x3] =	stream.indirect_vreg.gather @!p0 [hbm4b:s5+s0], $0x80, v2, vm1, $0xb8;
	[tilespmem:$0x18880] =	vst v63  }
0x192: {  	s31 =	simm.s32 @!p0 $0x12080  }
0x193: {  	[tilespmem:s31], [sflag:$0x3] =	stream.indirect_vreg.gather @!p0 [hbm4b:s6+s0], $0x80, v2, vm1, $0xb8;
	[tilespmem:$0x18880] =	vst v63  }
0x194: {  	s31 =	simm.s32 @!p0 $0x12880  }
0x195: {  	[tilespmem:s31], [sflag:$0x3] =	stream.indirect_vreg.gather @!p0 [hbm4b:s7+s0], $0x80, v2, vm1, $0xb8;
	[tilespmem:$0x18880] =	vst v63  }
0x196: {  	s31 =	simm.s32 @!p0 $0x13080  }
0x197: {  	[tilespmem:s31], [sflag:$0x3] =	stream.indirect_vreg.gather @!p0 [hbm4b:s8+s0], $0x80, v2, vm1, $0xb8;
	[tilespmem:$0x18880] =	vst v63  }
0x198: {  	s31 =	simm.s32 @!p0 $0x13880  }
0x199: {  	[tilespmem:s31], [sflag:$0x3] =	stream.indirect_vreg.gather @!p0 [hbm4b:s9+s0], $0x80, v2, vm1, $0xb8;
	[tilespmem:$0x18880] =	vst v63  }
0x19a: {  	s31 =	simm.s32 @!p0 $0x14080  }
0x19b: {  	[tilespmem:s31], [sflag:$0x3] =	stream.indirect_vreg.gather @!p0 [hbm4b:s10+s0], $0x80, v2, vm1, $0xb8;
	[tilespmem:$0x18880] =	vst v63  }
0x19c: {  	s31 =	simm.s32 @!p0 $0x14880  }
0x19d: {  	[tilespmem:s31], [sflag:$0x3] =	stream.indirect_vreg.gather @!p0 [hbm4b:s11+s0], $0x80, v2, vm1, $0xb8;
	[tilespmem:$0x18880] =	vst v63  }
0x19e: {  	s31 =	simm.s32 @!p0 $0x15080  }
0x19f: {  	[tilespmem:s31], [sflag:$0x3] =	stream.indirect_vreg.gather @!p0 [hbm4b:s12+s0], $0x80, v2, vm1, $0xb8;
	[tilespmem:$0x18880] =	vst v63  }
0x1a0: {  	s31 =	simm.s32 @!p0 $0x15880  }
0x1a1: {  	[tilespmem:s31], [sflag:$0x3] =	stream.indirect_vreg.gather @!p0 [hbm4b:s13+s0], $0x80, v2, vm1, $0xb8;
	[tilespmem:$0x18880] =	vst v63  }
0x1a2: {  	s31 =	simm.s32 @!p0 $0x16080  }
0x1a3: {  	[tilespmem:s31], [sflag:$0x3] =	stream.indirect_vreg.gather @!p0 [hbm4b:s14+s0], $0x80, v2, vm1, $0xb8;
	[tilespmem:$0x18880] =	vst v63  }
0x1a4: {  	s31 =	simm.s32 @!p0 $0x16880  }
0x1a5: {  	[tilespmem:s31], [sflag:$0x3] =	stream.indirect_vreg.gather @!p0 [hbm4b:s15+s0], $0x80, v2, vm1, $0xb8;
	[tilespmem:$0x18880] =	vst v63  }
0x1a6: {  	s31 =	simm.s32 @!p0 $0x17080  }
0x1a7: {  	[tilespmem:s31], [sflag:$0x3] =	stream.indirect_vreg.gather @!p0 [hbm4b:s16+s0], $0x80, v2, vm1, $0xb8;
	[tilespmem:$0x18880] =	vst v63  }
0x1a8: {  	s31 =	simm.s32 @!p0 $0x17880  }
0x1a9: {  	[tilespmem:s31], [sflag:$0x3] =	stream.indirect_vreg.gather @!p0 [hbm4b:s17+s0], $0x80, v2, vm1, $0xb8;
	[tilespmem:$0x18880] =	vst v63  }
0x1aa: {  	s31 =	simm.s32 @!p0 $0x18080  }
0x1ab: {  	[tilespmem:s31], [sflag:$0x3] =	stream.indirect_vreg.gather @!p0 [hbm4b:s18+s0], $0x80, v2, vm1, $0xb8;
	[tilespmem:$0x18880] =	vst v63  }
0x1ac: {  	s31 =	simm.s32 @!p0 $0x2  }
0x1ad: {  	_ =	swait.ge @!p0 [sflag:s31], $0x8000  }
0x1ae: {  	[sflag:s31] =	ssyncset.done @!p0 $0x0  }
0x1af: {  	[sflag:s31] =	ssyncadd.s32 @!p0 $0xFFFF8000;
	s31 =	simm.s32 @!p0 $0x8880  }
0x1b0: {  	[hbm4b:s19+s0] =	stream.linear.scatter @!p0 [tilespmem:s31], [sflag:$0x5], $0x8000, $0x38;
	[tilespmem:$0x18880] =	vst v63  }
0x1b1: {  	s31 =	simm.s32 @!p0 $0x3  }
0x1b2: {  	_ =	swait.ge @!p0 [sflag:s31], $0x8000  }
0x1b3: {  	[sflag:s31] =	ssyncset.done @!p0 $0x0  }
0x1b4: {  	s19 =	rddreg [dreg:$0x15];
	[sflag:s31] =	ssyncadd.s32 @!p0 $0xFFFF8000  }
0x1b5: {  	[hbm4b:s19+s0] =	stream.linear.scatter @!p0 [tilespmem:s2], [sflag:$0x6], $0x8000, $0x38;
	[tilespmem:$0x18880] =	vst v63  }
0x1b6: {  	s0 =	simm.s32 @!p0 $0x4  }
0x1b7: {  	_ =	swait.ge @!p0 [sflag:s0], $0x8000  }
0x1b8: {  	s2 =	simm.s32 @!p0 $0x5;
	[sflag:s0] =	ssyncset.done @!p0 $0x0  }
0x1b9: {  	s28 =	sadd.s32 $0xFFFFFFFF, s28;
	s2 =	simm.s32 @p0 $0x4;
	[sflag:s0] =	ssyncadd.s32 @!p0 $0xFFFF8000  }
0x1ba: {  	p1 =	sne.s32 s28, $0x0;
	_ =	swait.ge [sflag:s2], $0x8000  }
.Ltmp0:
0x1bb: {  	s0 =	simm.s32 @!p0 $0x6;
	[sflag:s2] =	ssyncset.done $0x0;
	(pc) =	sbr.rel @p1 .LBB2_1-.Ltmp0, $4  }
0x1bc: {  	s0 =	simm.s32 @p0 $0x5;
	[sflag:s2] =	ssyncadd.s32 $0xFFFF8000  }
0x1bd: {  	_ =	swait.ge [sflag:s0], $0x8000  }
0x1be: {  	[sflag:s0] =	ssyncset.done $0x0  }
0x1bf: {  	[sflag:s0] =	ssyncadd.s32 $0xFFFF8000  }
0x1c0: {  	_ =	sfence.sel $0x180000  }
0x1c1: {  	[bflag:$0x0] =	sbarrier.arrive $0xFFFF  }
0x1c2: {  	_ =	strace $0x90000047  }
0x1c3: {  	s0 =	stileid.u32;
	[bflag:$0x2] =	sbarrier.arrive $0xFFFF  }
0x1c4: {  	p0 =	sne.s32 s0, $0x0;
	s0 =	rddreg [dreg:$0x3]  }
0x1c5: {  	s0 =	sadd.s32 @!p0 $0x100000, s0  }
0x1c6: {  	[sflag:s0] =	ssyncadd.tile.s32 @!p0 $0x1;
	_ =	shalt  }
.Lfunc_end2:
_tile_overlayer_lowered:
.L_overlay_start_2:
0x1c7: {  	(tag) =	ssettag $0x2  }
0x1c8: {  	s0 =	rddreg [dreg:$0x0];
	s2 =	stileid.u32  }
0x1c9: {  	s1 =	rddreg [dreg:$0x1];
	p0 =	sne.s32 s2, $0x0  }
0x1ca: {  	s3 =	rddreg [dreg:$0x2];
	[bflag:$0x3] =	sbarrier.arrive $0xFFFF;
	s2 =	simm.s32 @!p0 $0x1C07  }
0x1cb: {  	[timem:s3], [sflag:s2] =	dma.local @!p0 [hbm:s0], s1  }
0x1cc: {  	s0 =	simm.s32 @!p0 $0x7  }
0x1cd: {  	_ =	swait.ge @!p0 [sflag:s0], s1  }
0x1ce: {  	s1 =	ssub.s32 @!p0 $0x0, s1;
	[sflag:s0] =	ssyncset.done @!p0 $0x0  }
0x1cf: {  	[sflag:s0] =	ssyncadd.s32 @!p0 s1  }
0x1d0: {  	[bflag:$0x3] =	sbarrier.arrive $0xFFFF  }
0x1d1: {  	_ =	shalt  }

</sc_bundles>
